<compile_context>
chip_gen: v7x
topology: tpu7x:2x2x1
jax: 0.10.2.dev20260603
libtpu: 0.0.44.dev20260713+nightly
codegen_flags: <defaults>
</compile_context>

<pallas_src>
import functools

import jax
import jax.numpy as jnp
from jax.experimental import pallas as pl
from jax.experimental.pallas import tpu as pltpu
from jax.experimental.pallas import tpu_sc as plsc

B = 8
N = 4096
S = 1024
K = 16
IN_DIM = 128
OUT_DIM = 256
FPAD = 144



def _fps_body(x_ref, y_ref, z_ref, idx_ref, nx_ref, ny_ref, nz_ref):
    X = x_ref[...]
    Y = y_ref[...]
    Z = z_ref[...]
    col = (jax.lax.broadcasted_iota(jnp.int32, (B, N), 1).astype(jnp.float32)
           + X * 0.0)
    col_s = (jax.lax.broadcasted_iota(jnp.int32, (B, S), 1).astype(jnp.float32)
             + X[:, :S] * 0.0)

    def body(i, state):
        dists, far, idx_acc, nx, ny, nz = state
        sel = col == far
        cx = jnp.sum(jnp.where(sel, X, 0.0), axis=1, keepdims=True)
        cy = jnp.sum(jnp.where(sel, Y, 0.0), axis=1, keepdims=True)
        cz = jnp.sum(jnp.where(sel, Z, 0.0), axis=1, keepdims=True)
        dx = X - cx
        dy = Y - cy
        dz = Z - cz
        d = (dx * dx + dy * dy) + dz * dz
        dists = jnp.minimum(dists, d)
        hot_f = (col_s == i.astype(jnp.float32)).astype(jnp.float32)
        idx_acc = idx_acc + far * hot_f
        nx = nx + cx * hot_f
        ny = ny + cy * hot_f
        nz = nz + cz * hot_f
        m = jnp.max(dists, axis=1, keepdims=True)
        far = jnp.min(jnp.where(dists == m, col, jnp.float32(N)),
                      axis=1, keepdims=True)
        return dists, far, idx_acc, nx, ny, nz

    dists0 = jnp.full((B, N), 1e10, dtype=jnp.float32)
    far0 = jnp.zeros((B, 1), dtype=jnp.float32)
    acc0 = jnp.zeros((B, S), dtype=jnp.float32)
    f0 = jnp.zeros((B, S), dtype=jnp.float32)
    _, _, idx_acc, nx, ny, nz = jax.lax.fori_loop(
        0, S, body, (dists0, far0, acc0, f0, f0, f0))
    idx_ref[...] = idx_acc.astype(jnp.int32)
    nx_ref[...] = nx
    ny_ref[...] = ny
    nz_ref[...] = nz


def _fps(x, y, z):
    return pl.pallas_call(
        _fps_body,
        out_shape=(
            jax.ShapeDtypeStruct((B, S), jnp.int32),
            jax.ShapeDtypeStruct((B, S), jnp.float32),
            jax.ShapeDtypeStruct((B, S), jnp.float32),
            jax.ShapeDtypeStruct((B, S), jnp.float32),
        ),
    )(x, y, z)



TILE_S = 256


def _knn_body(b0, qx_ref, qy_ref, qz_ref, x_ref, y_ref, z_ref, out_ref):
    b = pl.program_id(0) + b0
    qx = qx_ref[0]
    qy = qy_ref[0]
    qz = qz_ref[0]
    px = x_ref[0]
    py = y_ref[0]
    pz = z_ref[0]
    bf = lambda v: v.astype(jnp.bfloat16).astype(jnp.float32)
    dot = (bf(qx) * bf(px) + bf(qy) * bf(py)) + bf(qz) * bf(pz)
    qsq = (qx * qx + qy * qy) + qz * qz
    psq = (px * px + py * py) + pz * pz
    d = (qsq + psq) - 2.0 * dot
    col = (jax.lax.broadcasted_iota(jnp.int32, (TILE_S, N), 1).astype(
        jnp.float32) + d * 0.0)
    kcol = (jax.lax.broadcasted_iota(jnp.int32, (TILE_S, K), 1).astype(
        jnp.float32) + d[:, :K] * 0.0)

    def body(t, state):
        d, acc = state
        m = jnp.min(d, axis=1, keepdims=True)
        idx = jnp.min(jnp.where(d == m, col, jnp.float32(N)),
                      axis=1, keepdims=True)
        acc = acc + idx * (kcol == t.astype(jnp.float32)).astype(jnp.float32)
        d = d + (col == idx).astype(jnp.float32) * jnp.float32(1e30)
        return d, acc

    acc0 = jnp.zeros((TILE_S, K), dtype=jnp.float32)
    _, acc = jax.lax.fori_loop(0, K, body, (d, acc0))
    out_ref[0] = acc.astype(jnp.int32) + b * N


def _knn(qx, qy, qz, x, y, z, b0, nb):
    nsb = S // TILE_S
    qmap = lambda b, i: (b + b0, i, 0)
    pmap = lambda b, i: (b + b0, 0, 0)
    return pl.pallas_call(
        functools.partial(_knn_body, b0),
        grid=(nb, nsb),
        in_specs=[
            pl.BlockSpec((1, TILE_S, 1), qmap),
            pl.BlockSpec((1, TILE_S, 1), qmap),
            pl.BlockSpec((1, TILE_S, 1), qmap),
            pl.BlockSpec((1, 1, N), pmap),
            pl.BlockSpec((1, 1, N), pmap),
            pl.BlockSpec((1, 1, N), pmap),
        ],
        out_specs=pl.BlockSpec((1, TILE_S, K), lambda b, i: (b, i, 0)),
        out_shape=jax.ShapeDtypeStruct((nb, S, K), jnp.int32),
    )(qx, qy, qz, x, y, z)



GATHER_WIN = 256
NUM_IDX = B * S * K
GPAD = 256


def _sc_gather(table, indices, m):
    mesh = plsc.VectorSubcoreMesh(core_axis_name="core",
                                  subcore_axis_name="subcore")

    @functools.partial(
        pl.kernel,
        out_type=jax.ShapeDtypeStruct((m, GPAD // 2), jnp.int32),
        mesh=mesh,
    )
    def kern(tab_hbm, idx_hbm, out_hbm):
        def body(i_vmem, o_vmem):
            pltpu.sync_copy(tab_hbm.at[i_vmem.at[0]], o_vmem)

        pltpu.emit_pipeline(
            body,
            grid=(m // GATHER_WIN,),
            in_specs=[pl.BlockSpec((1, GATHER_WIN), lambda i: (0, i))],
            out_specs=[pl.BlockSpec((GATHER_WIN, GPAD // 2), lambda i: (i, 0))],
            core_axis_name=("core", "subcore"),
            dimension_semantics=(pltpu.PARALLEL,),
        )(idx_hbm, out_hbm)

    return kern(table, indices)



TILE_Q = 128


def _mlp_body(r_ref, qx_ref, qy_ref, qz_ref, w1_ref, b1_ref, w2_ref, b2_ref,
              g_ref, bt_ref, out_ref):
    W1 = w1_ref[...]
    W2 = w2_ref[...]
    bf = lambda v: v.astype(jnp.bfloat16).astype(jnp.float32)
    ri = r_ref[...].reshape(TILE_Q * K, GPAD // 2)
    lo = jax.lax.bitcast_convert_type(ri << 16, jnp.float32)
    hi = jax.lax.bitcast_convert_type(
        ri & jnp.int32(-65536), jnp.float32)
    h1 = (jnp.dot(lo.astype(jnp.bfloat16), W1[:GPAD // 2, :],
                  preferred_element_type=jnp.float32)
          + jnp.dot(hi.astype(jnp.bfloat16), W1[GPAD // 2:, :],
                    preferred_element_type=jnp.float32)) + b1_ref[...]
    corr = (bf(qx_ref[...]) * W1[0:1, :].astype(jnp.float32)
            + bf(qy_ref[...]) * W1[1:2, :].astype(jnp.float32)
            + bf(qz_ref[...]) * W1[2:3, :].astype(jnp.float32))
    h1 = h1.reshape(TILE_Q, K, OUT_DIM) - corr.reshape(TILE_Q, 1, OUT_DIM)
    h1 = jnp.maximum(h1, 0.0).reshape(TILE_Q * K, OUT_DIM)
    h2 = jnp.dot(h1.astype(jnp.bfloat16), W2.astype(jnp.bfloat16),
                 preferred_element_type=jnp.float32) + b2_ref[...]
    h = jnp.max(h2.reshape(TILE_Q, K, OUT_DIM), axis=1)
    mu = jnp.mean(h, axis=1, keepdims=True)
    c = h - mu
    var = jnp.mean(c * c, axis=1, keepdims=True)
    out_ref[...] = c * jax.lax.rsqrt(var + 1e-5) * g_ref[...] + bt_ref[...]


def _mlp(r3, qxc, qyc, qzc, w1p, b1, w2, b2, gamma, beta):
    nq = r3.shape[0]
    nblk = nq // TILE_Q
    return pl.pallas_call(
        _mlp_body,
        grid=(nblk,),
        in_specs=[
            pl.BlockSpec((TILE_Q, K, GPAD // 2), lambda i: (i, 0, 0)),
            pl.BlockSpec((TILE_Q, 1), lambda i: (i, 0)),
            pl.BlockSpec((TILE_Q, 1), lambda i: (i, 0)),
            pl.BlockSpec((TILE_Q, 1), lambda i: (i, 0)),
            pl.BlockSpec((GPAD, OUT_DIM), lambda i: (0, 0)),
            pl.BlockSpec((1, OUT_DIM), lambda i: (0, 0)),
            pl.BlockSpec((OUT_DIM, OUT_DIM), lambda i: (0, 0)),
            pl.BlockSpec((1, OUT_DIM), lambda i: (0, 0)),
            pl.BlockSpec((1, OUT_DIM), lambda i: (0, 0)),
            pl.BlockSpec((1, OUT_DIM), lambda i: (0, 0)),
        ],
        out_specs=pl.BlockSpec((TILE_Q, OUT_DIM), lambda i: (i, 0)),
        out_shape=jax.ShapeDtypeStruct((nq, OUT_DIM), jnp.float32),
    )(r3, qxc, qyc, qzc, w1p, b1, w2, b2, gamma, beta)




def kernel(xyz, feat, W1, b1, W2, b2, gamma, beta):
    x = xyz[:, :, 0]
    y = xyz[:, :, 1]
    z = xyz[:, :, 2]

    fps_idx, nx, ny, nz = _fps(x, y, z)
    new_xyz = jnp.stack([nx, ny, nz], axis=-1)

    tab_bf = jnp.concatenate(
        [xyz, feat, jnp.zeros((B, N, GPAD - 3 - IN_DIM), jnp.float32)],
        axis=-1).astype(jnp.bfloat16).reshape(B * N, GPAD)
    bits = jax.lax.bitcast_convert_type(tab_bf, jnp.uint16).astype(jnp.uint32)
    table = ((bits[:, GPAD // 2:] << 16) | bits[:, :GPAD // 2]).astype(
        jnp.int32)
    w1p = jnp.concatenate(
        [W1, jnp.zeros((GPAD - 3 - IN_DIM, OUT_DIM), jnp.float32)],
        axis=0).astype(jnp.bfloat16)

    qx3 = nx[:, :, None]
    qy3 = ny[:, :, None]
    qz3 = nz[:, :, None]
    px3 = x[:, None, :]
    py3 = y[:, None, :]
    pz3 = z[:, None, :]

    NB = B // 2
    halves = []
    for h in range(2):
        b0 = h * NB
        knn_idx = _knn(qx3, qy3, qz3, px3, py3, pz3, b0, NB)
        m = NB * S * K
        r = _sc_gather(table, knn_idx.reshape(1, m), m)
        r3 = r.reshape(NB * S, K, GPAD // 2)
        qxc = nx[b0:b0 + NB].reshape(NB * S, 1)
        qyc = ny[b0:b0 + NB].reshape(NB * S, 1)
        qzc = nz[b0:b0 + NB].reshape(NB * S, 1)
        halves.append(_mlp(r3, qxc, qyc, qzc, w1p, b1[None, :], W2,
                           b2[None, :], gamma[None, :], beta[None, :]))
    hn = jnp.concatenate(halves, axis=0)
    return new_xyz, hn.reshape(B, S, OUT_DIM)

# --- scband reference (transcript-rebuilt; emitter-appended) ---
"""Pipeline reference for scband-transition-down-37091337568770 (READ-ONLY COPY).

The authoritative reference and input builder live on the scoring server;
editing this copy changes nothing except your own understanding.
"""

import jax, jax.numpy as jnp
import numpy as np

NPOINT = 1024
K = 16
IN_DIM = 128
OUT_DIM = 256


def index_points(points, idx):
    # points: (B, N, C); idx: (B, ...) int -> (B, ..., C)
    B = points.shape[0]
    batch = jnp.arange(B).reshape((B,) + (1,) * (idx.ndim - 1))
    return points[batch, idx]


def farthest_point_sample(xyz, npoint):
    # xyz: (B, N, 3) -> (B, npoint) int32, deterministic start at index 0
    B, N, _ = xyz.shape

    def body(i, state):
        idxs, dists, farthest = state
        idxs = idxs.at[:, i].set(farthest)
        centroid = jnp.take_along_axis(xyz, farthest[:, None, None], axis=1)  # (B,1,3)
        d = jnp.sum((xyz - centroid) ** 2, axis=-1)  # (B,N)
        dists = jnp.minimum(dists, d)
        farthest = jnp.argmax(dists, axis=-1).astype(jnp.int32)
        return (idxs, dists, farthest)

    idxs0 = jnp.zeros((B, npoint), dtype=jnp.int32)
    dists0 = jnp.full((B, N), 1e10, dtype=jnp.float32)
    farthest0 = jnp.zeros((B,), dtype=jnp.int32)
    idxs, _, _ = jax.lax.fori_loop(0, npoint, body, (idxs0, dists0, farthest0))
    return idxs


def knn_query(k, xyz, query_xyz):
    # xyz: (B, N, 3); query_xyz: (B, S, 3) -> (B, S, k) indices into xyz
    sq = (jnp.sum(query_xyz ** 2, axis=-1)[:, :, None]
          + jnp.sum(xyz ** 2, axis=-1)[:, None, :]
          - 2.0 * jnp.einsum('bsc,bnc->bsn', query_xyz, xyz))
    dists = jnp.sqrt(jnp.clip(sq, 0.0, None))
    _, idx = jax.lax.top_k(-dists, k)
    return idx


def setup_inputs(seed: int = 0):
    key = jax.random.key(seed)
    k1, k2, k3, k4 = jax.random.split(key, 4)
    B, N = 8, 4096
    xyz = jax.random.uniform(k1, (B, N, 3), dtype=jnp.float32)
    feat = jax.random.normal(k2, (B, N, IN_DIM), dtype=jnp.float32)
    W1 = jax.random.normal(k3, (3 + IN_DIM, OUT_DIM), dtype=jnp.float32) * (1.0 / np.sqrt(3 + IN_DIM))
    b1 = jnp.zeros((OUT_DIM,), jnp.float32)
    W2 = jax.random.normal(k4, (OUT_DIM, OUT_DIM), dtype=jnp.float32) * (1.0 / np.sqrt(OUT_DIM))
    b2 = jnp.zeros((OUT_DIM,), jnp.float32)
    gamma = jnp.ones((OUT_DIM,), jnp.float32)
    beta = jnp.zeros((OUT_DIM,), jnp.float32)
    return {"xyz": xyz, "feat": feat, "W1": W1, "b1": b1, "W2": W2, "b2": b2, "gamma": gamma, "beta": beta}


def reference(xyz, feat, W1, b1, W2, b2, gamma, beta):
    fps_idx = farthest_point_sample(xyz, NPOINT)            # (B, S)
    new_xyz = index_points(xyz, fps_idx)                    # (B, S, 3)
    knn_idx = knn_query(K, xyz, new_xyz)                    # (B, S, K)
    grp_xyz = index_points(xyz, knn_idx) - new_xyz[:, :, None, :]   # (B, S, K, 3)
    grp_feat = index_points(feat, knn_idx)                  # (B, S, K, in_dim)
    grouped = jnp.concatenate([grp_xyz, grp_feat], axis=-1)
    B, S, Kk, C = grouped.shape
    h = grouped.reshape(B * S * Kk, C)
    h = jnp.maximum(h @ W1 + b1, 0.0)
    h = h @ W2 + b2
    h = h.reshape(B, S, Kk, OUT_DIM).max(axis=2)            # (B, S, out_dim)
    mu = jnp.mean(h, axis=-1, keepdims=True)
    var = jnp.var(h, axis=-1, keepdims=True)
    hn = (h - mu) / jnp.sqrt(var + 1e-5) * gamma + beta
    return (new_xyz, hn)

if __name__ == "__main__":
    import jax
    _d = setup_inputs()
    print(jax.jit(kernel)(*tuple(_d.values())))

</pallas_src>

<mosaic_0001>
#map = affine_map<(d0, d1) -> (0, 0)>
module attributes {stable_mosaic.version = 14 : i64} {
  func.func @kern(%arg0: i32, %arg1: i32, %arg2: memref<32768x128xi32, #tpu.memory_space<hbm>>, %arg3: memref<1x65536xi32, #tpu.memory_space<hbm>>, %arg4: memref<65536x128xi32, #tpu.memory_space<hbm>>) attributes {dimension_semantics = [#tpu.dimension_semantics<core_parallel>, #tpu.dimension_semantics<subcore_parallel>], iteration_bounds = array<i64: 2, 16>, scalar_prefetch = 0 : i64, scratch_operands = 0 : i64, tpu.core_type = #tpu.core_type<sc_vector_subcore>, window_params = [{transform_indices = #map}, {transform_indices = #map}, {transform_indices = #map}]} {
    %mul3A = arith.constant 1 : i32
    %mul3A_0 = arith.muli %arg1, %mul3A : i32
    %add3A = arith.constant 0 : i32
    %add3A_1 = arith.addi %add3A, %mul3A_0 : i32
    %mul3A_2 = arith.constant 16 : i32
    %mul3A_3 = arith.muli %arg0, %mul3A_2 : i32
    %add3A_4 = arith.addi %add3A_1, %mul3A_3 : i32
    %mul3A_5 = arith.constant 8 : i32
    %mul3A_6 = arith.muli %add3A_4, %mul3A_5 : i32
    "tpu.region"() ({
      %run_scoped3A = memref.alloca() : memref<2x1x256xi32, #tpu.memory_space<vmem>>
      %run_scoped3A_7 = tpu.sem_alloc : memref<2x!tpu.dma_semaphore, #tpu.memory_space<semaphore_mem>>
      %run_scoped3A_8 = memref.alloca() : memref<2x256x128xi32, #tpu.memory_space<vmem>>
      %run_scoped3A_9 = tpu.sem_alloc : memref<2x!tpu.dma_semaphore, #tpu.memory_space<semaphore_mem>>
      %add3A_10 = arith.constant 0 : i32
      %add3A_11 = arith.addi %add3A_10, %mul3A_6 : i32
      %select_n3A = arith.constant true
      %select_n3A_12 = arith.constant 0 : i32
      %select_n3A_13 = arith.constant -1 : i32
      %select_n3A_14 = arith.select %select_n3A, %select_n3A_13, %select_n3A_12 : i32
      %eq3A = arith.constant -1 : i32
      %eq3A_15 = arith.cmpi eq, %select_n3A_14, %eq3A : i32
      %select_n3A_16 = arith.constant 7 : i32
      %select_n3A_17 = arith.select %eq3A_15, %select_n3A_16, %select_n3A_14 : i32
      %add3A_18 = arith.addi %select_n3A_17, %mul3A_6 : i32
      %select_n3A_19 = arith.constant true
      %select_n3A_20 = arith.constant 0 : i32
      %select_n3A_21 = arith.constant 1 : i32
      %select_n3A_22 = arith.select %select_n3A_19, %select_n3A_21, %select_n3A_20 : i32
      %eq3A_23 = arith.constant 8 : i32
      %eq3A_24 = arith.cmpi eq, %select_n3A_22, %eq3A_23 : i32
      %select_n3A_25 = arith.constant 0 : i32
      %select_n3A_26 = arith.select %eq3A_24, %select_n3A_25, %select_n3A_22 : i32
      %add3A_27 = arith.addi %select_n3A_26, %mul3A_6 : i32
      %add3A_28 = arith.constant 1 : i32
      %add3A_29 = arith.addi %select_n3A_26, %add3A_28 : i32
      %select_n3A_30 = arith.constant true
      %select_n3A_31 = arith.select %select_n3A_30, %add3A_29, %select_n3A_26 : i32
      %eq3A_32 = arith.constant 8 : i32
      %eq3A_33 = arith.cmpi eq, %select_n3A_31, %eq3A_32 : i32
      %select_n3A_34 = arith.constant 0 : i32
      %select_n3A_35 = arith.select %eq3A_33, %select_n3A_34, %select_n3A_31 : i32
      %add3A_36 = arith.addi %select_n3A_35, %mul3A_6 : i32
      "tpu.trace_start"() <{level = 10 : i32, message = "ep_initialize_0"}> : () -> ()
      %rem3A = arith.constant 0 : i32
      %rem3A_37 = arith.constant 2 : i32
      %rem3A_38 = arith.remui %rem3A, %rem3A_37 : i32
      %mul3A_39 = arith.constant 256 : i32
      %mul3A_40 = arith.muli %mul3A_39, %add3A_11 : i32
      %dma_start3A = arith.constant 0 : i32
      %dma_start3A_41 = arith.constant 0 : i32
      %dma_start3A_42 = tpu.memref_slice %run_scoped3A[%rem3A_38, %dma_start3A, %dma_start3A_41] : memref<2x1x256xi32, #tpu.memory_space<vmem>> -> memref<1x1x256xi32, #tpu.memory_space<vmem>>
      %dma_start3A_43 = tpu.memref_squeeze %dma_start3A_42 : memref<1x1x256xi32, #tpu.memory_space<vmem>> -> memref<1x256xi32, #tpu.memory_space<vmem>>
      %dma_start3A_44 = arith.constant 0 : i32
      %dma_start3A_45 = tpu.memref_slice %arg3[%dma_start3A_44, %mul3A_40] : memref<1x65536xi32, #tpu.memory_space<hbm>> -> memref<1x256xi32, #tpu.memory_space<hbm>>
      %dma_start3A_46 = tpu.memref_slice %run_scoped3A_7[%rem3A_38] : memref<2x!tpu.dma_semaphore, #tpu.memory_space<semaphore_mem>> -> memref<1x!tpu.dma_semaphore, #tpu.memory_space<semaphore_mem>>
      %dma_start3A_47 = tpu.memref_squeeze %dma_start3A_46 : memref<1x!tpu.dma_semaphore, #tpu.memory_space<semaphore_mem>> -> memref<!tpu.dma_semaphore, #tpu.memory_space<semaphore_mem>>
      %dma_start3A_48 = arith.constant 0 : i32
      %dma_start3A_49 = arith.constant 0 : i32
      %dma_start3A_50 = tpu.memref_slice %run_scoped3A[%rem3A_38, %dma_start3A_48, %dma_start3A_49] : memref<2x1x256xi32, #tpu.memory_space<vmem>> -> memref<1x1x256xi32, #tpu.memory_space<vmem>>
      %dma_start3A_51 = tpu.memref_squeeze %dma_start3A_50 : memref<1x1x256xi32, #tpu.memory_space<vmem>> -> memref<1x256xi32, #tpu.memory_space<vmem>>
      %dma_start3A_52 = arith.constant 0 : i32
      %dma_start3A_53 = tpu.memref_slice %arg3[%dma_start3A_52, %mul3A_40] : memref<1x65536xi32, #tpu.memory_space<hbm>> -> memref<1x256xi32, #tpu.memory_space<hbm>>
      tpu.enqueue_dma source(%dma_start3A_53 : memref<1x256xi32, #tpu.memory_space<hbm>>) target(%dma_start3A_51 : memref<1x256xi32, #tpu.memory_space<vmem>>) target_semaphore(%dma_start3A_47 : memref<!tpu.dma_semaphore, #tpu.memory_space<semaphore_mem>>)
      %add3A_54 = arith.constant 0 : i32
      %add3A_55 = arith.constant 1 : i32
      %add3A_56 = arith.addi %add3A_54, %add3A_55 : i32
      %select_n3A_57 = arith.constant true
      %select_n3A_58 = arith.constant 0 : i32
      %select_n3A_59 = arith.select %select_n3A_57, %add3A_56, %select_n3A_58 : i32
      "tpu.trace_stop"() : () -> ()
      %scan3A = arith.constant 0 : i32
      %scan3A_60 = arith.constant 0 : i32
      %scan3A_61 = arith.constant 0 : i32
      %scan3A_62 = arith.constant 0 : i32
      %scan3A_63 = arith.constant 0 : i32
      %scan3A_64 = arith.constant 8 : i32
      %scan3A_65 = arith.addi %scan3A_63, %scan3A_64 : i32
      %scan3A_66 = arith.constant 1 : i32
      %scan3A_67:5 = scf.for %scan3A_121 = %scan3A_63 to %scan3A_65 step %scan3A_66 iter_args(%scan3A_122 = %select_n3A_59, %scan3A_123 = %scan3A, %scan3A_124 = %scan3A_60, %scan3A_125 = %scan3A_61, %scan3A_126 = %scan3A_62) -> (i32, i32, i32, i32, i32)  : i32 {
        %eq3A_127 = arith.constant 0 : i32
        %eq3A_128 = arith.cmpi eq, %scan3A_121, %eq3A_127 : i32
        %eq3A_129 = arith.constant 7 : i32
        %eq3A_130 = arith.cmpi eq, %scan3A_121, %eq3A_129 : i32
        %add3A_131 = arith.addi %scan3A_126, %mul3A_6 : i32
        %sub3A_132 = arith.constant 1 : i32
        %sub3A_133 = arith.subi %scan3A_126, %sub3A_132 : i32
        %select_n3A_134 = arith.constant true
        %select_n3A_135 = arith.select %select_n3A_134, %sub3A_133, %scan3A_126 : i32
        %eq3A_136 = arith.constant -1 : i32
        %eq3A_137 = arith.cmpi eq, %select_n3A_135, %eq3A_136 : i32
        %select_n3A_138 = arith.constant 7 : i32
        %select_n3A_139 = arith.select %eq3A_137, %select_n3A_138, %select_n3A_135 : i32
        %add3A_140 = arith.addi %select_n3A_139, %mul3A_6 : i32
        %add3A_141 = arith.constant 1 : i32
        %add3A_142 = arith.addi %scan3A_126, %add3A_141 : i32
        %select_n3A_143 = arith.constant true
        %select_n3A_144 = arith.select %select_n3A_143, %add3A_142, %scan3A_126 : i32
        %eq3A_145 = arith.constant 8 : i32
        %eq3A_146 = arith.cmpi eq, %select_n3A_144, %eq3A_145 : i32
        %select_n3A_147 = arith.constant 0 : i32
        %select_n3A_148 = arith.select %eq3A_146, %select_n3A_147, %select_n3A_144 : i32
        %add3A_149 = arith.addi %select_n3A_148, %mul3A_6 : i32
        %add3A_150 = arith.constant 1 : i32
        %add3A_151 = arith.addi %select_n3A_148, %add3A_150 : i32
        %select_n3A_152 = arith.constant true
        %select_n3A_153 = arith.select %select_n3A_152, %add3A_151, %select_n3A_148 : i32
        %eq3A_154 = arith.constant 8 : i32
        %eq3A_155 = arith.cmpi eq, %select_n3A_153, %eq3A_154 : i32
        %select_n3A_156 = arith.constant 0 : i32
        %select_n3A_157 = arith.select %eq3A_155, %select_n3A_156, %select_n3A_153 : i32
        %add3A_158 = arith.addi %select_n3A_157, %mul3A_6 : i32
        %ne3A = arith.cmpi ne, %add3A_131, %add3A_149 : i32
        %or3A = arith.constant false
        %or3A_159 = arith.ori %or3A, %ne3A : i1
        %ge3A = arith.constant 7 : i32
        %ge3A_160 = arith.cmpi sge, %scan3A_121, %ge3A : i32
        %not3A = arith.constant true
        %not3A_161 = arith.xori %ge3A_160, %not3A : i1
        %and3A = arith.andi %or3A_159, %not3A_161 : i1
        %convert_element_type3A = arith.extui %and3A : i1 to i32
        %cond3A = arith.constant 0 : i32
        %cond3A_162 = arith.cmpi ne, %convert_element_type3A, %cond3A : i32
        scf.if %cond3A_162 {
          "tpu.trace_start"() <{level = 10 : i32, message = "ep_copy_in"}> : () -> ()
          %rem3A_264 = arith.constant 2 : i32
          %rem3A_265 = arith.remui %scan3A_122, %rem3A_264 : i32
          %mul3A_266 = arith.constant 256 : i32
          %mul3A_267 = arith.muli %mul3A_266, %add3A_149 : i32
          %dma_start3A_268 = arith.constant 0 : i32
          %dma_start3A_269 = arith.constant 0 : i32
          %dma_start3A_270 = tpu.memref_slice %run_scoped3A[%rem3A_265, %dma_start3A_268, %dma_start3A_269] : memref<2x1x256xi32, #tpu.memory_space<vmem>> -> memref<1x1x256xi32, #tpu.memory_space<vmem>>
          %dma_start3A_271 = tpu.memref_squeeze %dma_start3A_270 : memref<1x1x256xi32, #tpu.memory_space<vmem>> -> memref<1x256xi32, #tpu.memory_space<vmem>>
          %dma_start3A_272 = arith.constant 0 : i32
          %dma_start3A_273 = tpu.memref_slice %arg3[%dma_start3A_272, %mul3A_267] : memref<1x65536xi32, #tpu.memory_space<hbm>> -> memref<1x256xi32, #tpu.memory_space<hbm>>
          %dma_start3A_274 = tpu.memref_slice %run_scoped3A_7[%rem3A_265] : memref<2x!tpu.dma_semaphore, #tpu.memory_space<semaphore_mem>> -> memref<1x!tpu.dma_semaphore, #tpu.memory_space<semaphore_mem>>
          %dma_start3A_275 = tpu.memref_squeeze %dma_start3A_274 : memref<1x!tpu.dma_semaphore, #tpu.memory_space<semaphore_mem>> -> memref<!tpu.dma_semaphore, #tpu.memory_space<semaphore_mem>>
          %dma_start3A_276 = arith.constant 0 : i32
          %dma_start3A_277 = arith.constant 0 : i32
          %dma_start3A_278 = tpu.memref_slice %run_scoped3A[%rem3A_265, %dma_start3A_276, %dma_start3A_277] : memref<2x1x256xi32, #tpu.memory_space<vmem>> -> memref<1x1x256xi32, #tpu.memory_space<vmem>>
          %dma_start3A_279 = tpu.memref_squeeze %dma_start3A_278 : memref<1x1x256xi32, #tpu.memory_space<vmem>> -> memref<1x256xi32, #tpu.memory_space<vmem>>
          %dma_start3A_280 = arith.constant 0 : i32
          %dma_start3A_281 = tpu.memref_slice %arg3[%dma_start3A_280, %mul3A_267] : memref<1x65536xi32, #tpu.memory_space<hbm>> -> memref<1x256xi32, #tpu.memory_space<hbm>>
          tpu.enqueue_dma source(%dma_start3A_281 : memref<1x256xi32, #tpu.memory_space<hbm>>) target(%dma_start3A_279 : memref<1x256xi32, #tpu.memory_space<vmem>>) target_semaphore(%dma_start3A_275 : memref<!tpu.dma_semaphore, #tpu.memory_space<semaphore_mem>>)
          "tpu.trace_stop"() : () -> ()
        } else {
        }
        %and3A_163 = arith.constant true
        %and3A_164 = arith.andi %and3A, %and3A_163 : i1
        %add3A_165 = arith.constant 1 : i32
        %add3A_166 = arith.addi %scan3A_122, %add3A_165 : i32
        %select_n3A_167 = arith.select %and3A_164, %add3A_166, %scan3A_122 : i32
        %ne3A_168 = arith.cmpi ne, %add3A_131, %add3A_149 : i32
        %or3A_169 = arith.constant false
        %or3A_170 = arith.ori %or3A_169, %ne3A_168 : i1
        %or3A_171 = arith.constant false
        %or3A_172 = arith.ori %or3A_170, %or3A_171 : i1
        %ge3A_173 = arith.constant 7 : i32
        %ge3A_174 = arith.cmpi sge, %scan3A_121, %ge3A_173 : i32
        %not3A_175 = arith.constant true
        %not3A_176 = arith.xori %ge3A_174, %not3A_175 : i1
        %and3A_177 = arith.andi %or3A_172, %not3A_176 : i1
        %ne3A_178 = arith.cmpi ne, %add3A_131, %add3A_140 : i32
        %or3A_179 = arith.constant false
        %or3A_180 = arith.ori %or3A_179, %ne3A_178 : i1
        %or3A_181 = arith.ori %or3A_180, %eq3A_128 : i1
        %convert_element_type3A_182 = arith.extui %or3A_181 : i1 to i32
        %cond3A_183 = arith.constant 0 : i32
        %cond3A_184 = arith.cmpi ne, %convert_element_type3A_182, %cond3A_183 : i32
        scf.if %cond3A_184 {
          "tpu.trace_start"() <{level = 10 : i32, message = "ep_wait_in"}> : () -> ()
          %mul3A_264 = arith.constant 256 : i32
          %mul3A_265 = arith.muli %mul3A_264, %add3A_131 : i32
          %rem3A_266 = arith.constant 2 : i32
          %rem3A_267 = arith.remui %scan3A_123, %rem3A_266 : i32
          %dma_wait3A_268 = arith.constant 0 : i32
          %dma_wait3A_269 = arith.constant 0 : i32
          %dma_wait3A_270 = tpu.memref_slice %run_scoped3A[%rem3A_267, %dma_wait3A_268, %dma_wait3A_269] : memref<2x1x256xi32, #tpu.memory_space<vmem>> -> memref<1x1x256xi32, #tpu.memory_space<vmem>>
          %dma_wait3A_271 = tpu.memref_squeeze %dma_wait3A_270 : memref<1x1x256xi32, #tpu.memory_space<vmem>> -> memref<1x256xi32, #tpu.memory_space<vmem>>
          %dma_wait3A_272 = arith.constant 0 : i32
          %dma_wait3A_273 = tpu.memref_slice %arg3[%dma_wait3A_272, %mul3A_265] : memref<1x65536xi32, #tpu.memory_space<hbm>> -> memref<1x256xi32, #tpu.memory_space<hbm>>
          %dma_wait3A_274 = tpu.memref_slice %run_scoped3A_7[%rem3A_267] : memref<2x!tpu.dma_semaphore, #tpu.memory_space<semaphore_mem>> -> memref<1x!tpu.dma_semaphore, #tpu.memory_space<semaphore_mem>>
          %dma_wait3A_275 = tpu.memref_squeeze %dma_wait3A_274 : memref<1x!tpu.dma_semaphore, #tpu.memory_space<semaphore_mem>> -> memref<!tpu.dma_semaphore, #tpu.memory_space<semaphore_mem>>
          %dma_wait3A_276 = arith.constant 0 : i32
          %dma_wait3A_277 = arith.constant 0 : i32
          %dma_wait3A_278 = tpu.memref_slice %run_scoped3A[%rem3A_267, %dma_wait3A_276, %dma_wait3A_277] : memref<2x1x256xi32, #tpu.memory_space<vmem>> -> memref<1x1x256xi32, #tpu.memory_space<vmem>>
          %dma_wait3A_279 = tpu.memref_squeeze %dma_wait3A_278 : memref<1x1x256xi32, #tpu.memory_space<vmem>> -> memref<1x256xi32, #tpu.memory_space<vmem>>
          %dma_wait3A_280 = arith.constant 0 : i32
          %dma_wait3A_281 = tpu.memref_slice %arg3[%dma_wait3A_280, %mul3A_265] : memref<1x65536xi32, #tpu.memory_space<hbm>> -> memref<1x256xi32, #tpu.memory_space<hbm>>
          tpu.wait_dma2 semaphore(%dma_wait3A_275 : memref<!tpu.dma_semaphore, #tpu.memory_space<semaphore_mem>>) src(%dma_wait3A_281 : memref<1x256xi32, #tpu.memory_space<hbm>>) dst(%dma_wait3A_279 : memref<1x256xi32, #tpu.memory_space<vmem>>)
          "tpu.trace_stop"() : () -> ()
        } else {
        }
        %ne3A_185 = arith.cmpi ne, %add3A_131, %add3A_140 : i32
        %or3A_186 = arith.constant false
        %or3A_187 = arith.ori %or3A_186, %ne3A_185 : i1
        %or3A_188 = arith.constant false
        %or3A_189 = arith.ori %or3A_187, %or3A_188 : i1
        %or3A_190 = arith.ori %or3A_189, %eq3A_128 : i1
        %convert_element_type3A_191 = arith.extui %or3A_190 : i1 to i32
        %cond3A_192 = arith.constant 0 : i32
        %cond3A_193 = arith.cmpi ne, %convert_element_type3A_191, %cond3A_192 : i32
        scf.if %cond3A_193 {
        } else {
        }
        %rem3A_194 = arith.constant 2 : i32
        %rem3A_195 = arith.remui %scan3A_123, %rem3A_194 : i32
        %rem3A_196 = arith.constant 2 : i32
        %rem3A_197 = arith.remui %scan3A_124, %rem3A_196 : i32
        %run_scoped3A_198 = arith.constant 0 : i32
        "tpu.trace_start"() <{level = 10 : i32, message = "ep_run_kernel"}> : () -> ()
        "tpu.region"() ({
          %run_scoped3A_264 = tpu.sem_alloc : memref<!tpu.dma_semaphore, #tpu.memory_space<semaphore_mem>>
          %dma_start3A_265 = arith.constant 0 : i32
          %dma_start3A_266 = arith.constant 0 : i32
          %dma_start3A_267 = tpu.memref_slice %run_scoped3A_8[%rem3A_197, %dma_start3A_265, %dma_start3A_266] : memref<2x256x128xi32, #tpu.memory_space<vmem>> -> memref<1x256x128xi32, #tpu.memory_space<vmem>>
          %dma_start3A_268 = tpu.memref_squeeze %dma_start3A_267 : memref<1x256x128xi32, #tpu.memory_space<vmem>> -> memref<256x128xi32, #tpu.memory_space<vmem>>
          %dma_start3A_269 = arith.constant 0 : i32
          %dma_start3A_270 = arith.constant 0 : i32
          %dma_start3A_271 = tpu.memref_slice %run_scoped3A[%rem3A_195, %dma_start3A_269, %dma_start3A_270] : memref<2x1x256xi32, #tpu.memory_space<vmem>> -> memref<1x1x256xi32, #tpu.memory_space<vmem>>
          %dma_start3A_272 = tpu.memref_squeeze %dma_start3A_271 : memref<1x1x256xi32, #tpu.memory_space<vmem>> -> memref<1x256xi32, #tpu.memory_space<vmem>>
          %dma_start3A_273 = arith.constant 0 : i32
          %dma_start3A_274 = tpu.memref_slice %dma_start3A_272[%run_scoped3A_198, %dma_start3A_273] : memref<1x256xi32, #tpu.memory_space<vmem>> -> memref<1x256xi32, #tpu.memory_space<vmem>>
          %dma_start3A_275 = tpu.memref_squeeze %dma_start3A_274 : memref<1x256xi32, #tpu.memory_space<vmem>> -> memref<256xi32, #tpu.memory_space<vmem>>
          %dma_start3A_276 = arith.constant 0 : i32
          %dma_start3A_277 = arith.constant 0 : i32
          %dma_start3A_278 = tpu.memref_slice %arg2[%dma_start3A_276, %dma_start3A_277] : memref<32768x128xi32, #tpu.memory_space<hbm>> -> memref<32768x128xi32, #tpu.memory_space<hbm>>
          tpu.enqueue_indirect_dma source(%dma_start3A_278 : memref<32768x128xi32, #tpu.memory_space<hbm>>) target(%dma_start3A_268 : memref<256x128xi32, #tpu.memory_space<vmem>>) offsets(%dma_start3A_275 : memref<256xi32, #tpu.memory_space<vmem>>) semaphore(%run_scoped3A_264 : memref<!tpu.dma_semaphore, #tpu.memory_space<semaphore_mem>>)
          %dma_wait3A_279 = arith.constant 0 : i32
          %dma_wait3A_280 = arith.constant 0 : i32
          %dma_wait3A_281 = tpu.memref_slice %run_scoped3A_8[%rem3A_197, %dma_wait3A_279, %dma_wait3A_280] : memref<2x256x128xi32, #tpu.memory_space<vmem>> -> memref<1x256x128xi32, #tpu.memory_space<vmem>>
          %dma_wait3A_282 = tpu.memref_squeeze %dma_wait3A_281 : memref<1x256x128xi32, #tpu.memory_space<vmem>> -> memref<256x128xi32, #tpu.memory_space<vmem>>
          %dma_wait3A_283 = arith.constant 0 : i32
          %dma_wait3A_284 = arith.constant 0 : i32
          %dma_wait3A_285 = tpu.memref_slice %run_scoped3A[%rem3A_195, %dma_wait3A_283, %dma_wait3A_284] : memref<2x1x256xi32, #tpu.memory_space<vmem>> -> memref<1x1x256xi32, #tpu.memory_space<vmem>>
          %dma_wait3A_286 = tpu.memref_squeeze %dma_wait3A_285 : memref<1x1x256xi32, #tpu.memory_space<vmem>> -> memref<1x256xi32, #tpu.memory_space<vmem>>
          %dma_wait3A_287 = arith.constant 0 : i32
          %dma_wait3A_288 = tpu.memref_slice %dma_wait3A_286[%run_scoped3A_198, %dma_wait3A_287] : memref<1x256xi32, #tpu.memory_space<vmem>> -> memref<1x256xi32, #tpu.memory_space<vmem>>
          %dma_wait3A_289 = tpu.memref_squeeze %dma_wait3A_288 : memref<1x256xi32, #tpu.memory_space<vmem>> -> memref<256xi32, #tpu.memory_space<vmem>>
          %dma_wait3A_290 = arith.constant 0 : i32
          %dma_wait3A_291 = arith.constant 0 : i32
          %dma_wait3A_292 = tpu.memref_slice %arg2[%dma_wait3A_290, %dma_wait3A_291] : memref<32768x128xi32, #tpu.memory_space<hbm>> -> memref<32768x128xi32, #tpu.memory_space<hbm>>
          tpu.wait_indirect_dma semaphore(%run_scoped3A_264 : memref<!tpu.dma_semaphore, #tpu.memory_space<semaphore_mem>>) src(%dma_wait3A_292 : memref<32768x128xi32, #tpu.memory_space<hbm>>) dst(%dma_wait3A_282 : memref<256x128xi32, #tpu.memory_space<vmem>>)
          tpu.yield
        }) : () -> ()
        "tpu.trace_stop"() : () -> ()
        %ne3A_199 = arith.cmpi ne, %add3A_131, %add3A_149 : i32
        %or3A_200 = arith.constant false
        %or3A_201 = arith.ori %or3A_200, %ne3A_199 : i1
        %or3A_202 = arith.ori %or3A_201, %eq3A_130 : i1
        %convert_element_type3A_203 = arith.extui %or3A_202 : i1 to i32
        %cond3A_204 = arith.constant 0 : i32
        %cond3A_205 = arith.cmpi ne, %convert_element_type3A_203, %cond3A_204 : i32
        scf.if %cond3A_205 {
        } else {
        }
        %and3A_206 = arith.constant false
        %and3A_207 = arith.andi %or3A_202, %and3A_206 : i1
        %ne3A_208 = arith.cmpi ne, %add3A_131, %add3A_149 : i32
        %or3A_209 = arith.constant false
        %or3A_210 = arith.ori %or3A_209, %ne3A_208 : i1
        %or3A_211 = arith.constant false
        %or3A_212 = arith.ori %or3A_210, %or3A_211 : i1
        %or3A_213 = arith.ori %or3A_212, %eq3A_130 : i1
        %convert_element_type3A_214 = arith.extui %or3A_213 : i1 to i32
        %cond3A_215 = arith.constant 0 : i32
        %cond3A_216 = arith.cmpi ne, %convert_element_type3A_214, %cond3A_215 : i32
        scf.if %cond3A_216 {
          "tpu.trace_start"() <{level = 10 : i32, message = "ep_copy_out"}> : () -> ()
          %rem3A_264 = arith.constant 2 : i32
          %rem3A_265 = arith.remui %scan3A_124, %rem3A_264 : i32
          %mul3A_266 = arith.constant 256 : i32
          %mul3A_267 = arith.muli %mul3A_266, %add3A_131 : i32
          %dma_start3A_268 = arith.constant 0 : i32
          %dma_start3A_269 = arith.constant 0 : i32
          %dma_start3A_270 = tpu.memref_slice %run_scoped3A_8[%rem3A_265, %dma_start3A_268, %dma_start3A_269] : memref<2x256x128xi32, #tpu.memory_space<vmem>> -> memref<1x256x128xi32, #tpu.memory_space<vmem>>
          %dma_start3A_271 = tpu.memref_squeeze %dma_start3A_270 : memref<1x256x128xi32, #tpu.memory_space<vmem>> -> memref<256x128xi32, #tpu.memory_space<vmem>>
          %dma_start3A_272 = arith.constant 0 : i32
          %dma_start3A_273 = tpu.memref_slice %arg4[%mul3A_267, %dma_start3A_272] : memref<65536x128xi32, #tpu.memory_space<hbm>> -> memref<256x128xi32, #tpu.memory_space<hbm>>
          %dma_start3A_274 = tpu.memref_slice %run_scoped3A_9[%rem3A_265] : memref<2x!tpu.dma_semaphore, #tpu.memory_space<semaphore_mem>> -> memref<1x!tpu.dma_semaphore, #tpu.memory_space<semaphore_mem>>
          %dma_start3A_275 = tpu.memref_squeeze %dma_start3A_274 : memref<1x!tpu.dma_semaphore, #tpu.memory_space<semaphore_mem>> -> memref<!tpu.dma_semaphore, #tpu.memory_space<semaphore_mem>>
          %dma_start3A_276 = arith.constant 0 : i32
          %dma_start3A_277 = tpu.memref_slice %arg4[%mul3A_267, %dma_start3A_276] : memref<65536x128xi32, #tpu.memory_space<hbm>> -> memref<256x128xi32, #tpu.memory_space<hbm>>
          %dma_start3A_278 = arith.constant 0 : i32
          %dma_start3A_279 = arith.constant 0 : i32
          %dma_start3A_280 = tpu.memref_slice %run_scoped3A_8[%rem3A_265, %dma_start3A_278, %dma_start3A_279] : memref<2x256x128xi32, #tpu.memory_space<vmem>> -> memref<1x256x128xi32, #tpu.memory_space<vmem>>
          %dma_start3A_281 = tpu.memref_squeeze %dma_start3A_280 : memref<1x256x128xi32, #tpu.memory_space<vmem>> -> memref<256x128xi32, #tpu.memory_space<vmem>>
          tpu.enqueue_dma source(%dma_start3A_281 : memref<256x128xi32, #tpu.memory_space<vmem>>) target(%dma_start3A_277 : memref<256x128xi32, #tpu.memory_space<hbm>>) target_semaphore(%dma_start3A_275 : memref<!tpu.dma_semaphore, #tpu.memory_space<semaphore_mem>>)
          "tpu.trace_stop"() : () -> ()
        } else {
        }
        %and3A_217 = arith.constant true
        %and3A_218 = arith.andi %or3A_213, %and3A_217 : i1
        %add3A_219 = arith.constant 1 : i32
        %add3A_220 = arith.addi %scan3A_124, %add3A_219 : i32
        %select_n3A_221 = arith.select %and3A_218, %add3A_220, %scan3A_124 : i32
        %ne3A_222 = arith.cmpi ne, %add3A_131, %add3A_140 : i32
        %or3A_223 = arith.constant false
        %or3A_224 = arith.ori %or3A_223, %ne3A_222 : i1
        %not3A_225 = arith.constant true
        %not3A_226 = arith.xori %eq3A_128, %not3A_225 : i1
        %and3A_227 = arith.andi %or3A_224, %not3A_226 : i1
        %convert_element_type3A_228 = arith.extui %and3A_227 : i1 to i32
        %cond3A_229 = arith.constant 0 : i32
        %cond3A_230 = arith.cmpi ne, %convert_element_type3A_228, %cond3A_229 : i32
        scf.if %cond3A_230 {
        } else {
        }
        %and3A_231 = arith.constant false
        %and3A_232 = arith.andi %and3A_227, %and3A_231 : i1
        %ne3A_233 = arith.cmpi ne, %add3A_131, %add3A_140 : i32
        %or3A_234 = arith.constant false
        %or3A_235 = arith.ori %or3A_234, %ne3A_233 : i1
        %or3A_236 = arith.constant false
        %or3A_237 = arith.ori %or3A_235, %or3A_236 : i1
        %not3A_238 = arith.constant true
        %not3A_239 = arith.xori %eq3A_128, %not3A_238 : i1
        %and3A_240 = arith.andi %or3A_237, %not3A_239 : i1
        %convert_element_type3A_241 = arith.extui %and3A_240 : i1 to i32
        %cond3A_242 = arith.constant 0 : i32
        %cond3A_243 = arith.cmpi ne, %convert_element_type3A_241, %cond3A_242 : i32
        scf.if %cond3A_243 {
          "tpu.trace_start"() <{level = 10 : i32, message = "ep_wait_out"}> : () -> ()
          %rem3A_264 = arith.constant 2 : i32
          %rem3A_265 = arith.remui %scan3A_125, %rem3A_264 : i32
          %mul3A_266 = arith.constant 256 : i32
          %mul3A_267 = arith.muli %mul3A_266, %add3A_140 : i32
          %dma_wait3A_268 = arith.constant 0 : i32
          %dma_wait3A_269 = arith.constant 0 : i32
          %dma_wait3A_270 = tpu.memref_slice %run_scoped3A_8[%rem3A_265, %dma_wait3A_268, %dma_wait3A_269] : memref<2x256x128xi32, #tpu.memory_space<vmem>> -> memref<1x256x128xi32, #tpu.memory_space<vmem>>
          %dma_wait3A_271 = tpu.memref_squeeze %dma_wait3A_270 : memref<1x256x128xi32, #tpu.memory_space<vmem>> -> memref<256x128xi32, #tpu.memory_space<vmem>>
          %dma_wait3A_272 = arith.constant 0 : i32
          %dma_wait3A_273 = tpu.memref_slice %arg4[%mul3A_267, %dma_wait3A_272] : memref<65536x128xi32, #tpu.memory_space<hbm>> -> memref<256x128xi32, #tpu.memory_space<hbm>>
          %dma_wait3A_274 = tpu.memref_slice %run_scoped3A_9[%rem3A_265] : memref<2x!tpu.dma_semaphore, #tpu.memory_space<semaphore_mem>> -> memref<1x!tpu.dma_semaphore, #tpu.memory_space<semaphore_mem>>
          %dma_wait3A_275 = tpu.memref_squeeze %dma_wait3A_274 : memref<1x!tpu.dma_semaphore, #tpu.memory_space<semaphore_mem>> -> memref<!tpu.dma_semaphore, #tpu.memory_space<semaphore_mem>>
          %dma_wait3A_276 = arith.constant 0 : i32
          %dma_wait3A_277 = tpu.memref_slice %arg4[%mul3A_267, %dma_wait3A_276] : memref<65536x128xi32, #tpu.memory_space<hbm>> -> memref<256x128xi32, #tpu.memory_space<hbm>>
          %dma_wait3A_278 = arith.constant 0 : i32
          %dma_wait3A_279 = arith.constant 0 : i32
          %dma_wait3A_280 = tpu.memref_slice %run_scoped3A_8[%rem3A_265, %dma_wait3A_278, %dma_wait3A_279] : memref<2x256x128xi32, #tpu.memory_space<vmem>> -> memref<1x256x128xi32, #tpu.memory_space<vmem>>
          %dma_wait3A_281 = tpu.memref_squeeze %dma_wait3A_280 : memref<1x256x128xi32, #tpu.memory_space<vmem>> -> memref<256x128xi32, #tpu.memory_space<vmem>>
          tpu.wait_dma2 semaphore(%dma_wait3A_275 : memref<!tpu.dma_semaphore, #tpu.memory_space<semaphore_mem>>) src(%dma_wait3A_281 : memref<256x128xi32, #tpu.memory_space<vmem>>) dst(%dma_wait3A_277 : memref<256x128xi32, #tpu.memory_space<hbm>>)
          "tpu.trace_stop"() : () -> ()
        } else {
        }
        %and3A_244 = arith.constant true
        %and3A_245 = arith.andi %and3A_240, %and3A_244 : i1
        %add3A_246 = arith.constant 1 : i32
        %add3A_247 = arith.addi %scan3A_125, %add3A_246 : i32
        %select_n3A_248 = arith.select %and3A_245, %add3A_247, %scan3A_125 : i32
        %ne3A_249 = arith.cmpi ne, %add3A_131, %add3A_149 : i32
        %or3A_250 = arith.constant false
        %or3A_251 = arith.ori %or3A_250, %ne3A_249 : i1
        %or3A_252 = arith.ori %or3A_251, %eq3A_130 : i1
        %add3A_253 = arith.constant 1 : i32
        %add3A_254 = arith.addi %scan3A_123, %add3A_253 : i32
        %select_n3A_255 = arith.select %or3A_252, %add3A_254, %scan3A_123 : i32
        %add3A_256 = arith.constant 1 : i32
        %add3A_257 = arith.addi %scan3A_126, %add3A_256 : i32
        %select_n3A_258 = arith.constant true
        %select_n3A_259 = arith.select %select_n3A_258, %add3A_257, %scan3A_126 : i32
        %eq3A_260 = arith.constant 8 : i32
        %eq3A_261 = arith.cmpi eq, %select_n3A_259, %eq3A_260 : i32
        %select_n3A_262 = arith.constant 0 : i32
        %select_n3A_263 = arith.select %eq3A_261, %select_n3A_262, %select_n3A_259 : i32
        scf.yield %select_n3A_167, %select_n3A_255, %select_n3A_221, %select_n3A_248, %select_n3A_263 : i32, i32, i32, i32, i32
      }
      %scan3A_68 = arith.constant 8 : i32
      %sub3A = arith.constant 1 : i32
      %sub3A_69 = arith.subi %scan3A_67#4, %sub3A : i32
      %select_n3A_70 = arith.constant true
      %select_n3A_71 = arith.select %select_n3A_70, %sub3A_69, %scan3A_67#4 : i32
      %eq3A_72 = arith.constant -1 : i32
      %eq3A_73 = arith.cmpi eq, %select_n3A_71, %eq3A_72 : i32
      %select_n3A_74 = arith.constant 7 : i32
      %select_n3A_75 = arith.select %eq3A_73, %select_n3A_74, %select_n3A_71 : i32
      %add3A_76 = arith.addi %select_n3A_75, %mul3A_6 : i32
      %sub3A_77 = arith.constant 1 : i32
      %sub3A_78 = arith.subi %select_n3A_75, %sub3A_77 : i32
      %select_n3A_79 = arith.constant true
      %select_n3A_80 = arith.select %select_n3A_79, %sub3A_78, %select_n3A_75 : i32
      %eq3A_81 = arith.constant -1 : i32
      %eq3A_82 = arith.cmpi eq, %select_n3A_80, %eq3A_81 : i32
      %select_n3A_83 = arith.constant 7 : i32
      %select_n3A_84 = arith.select %eq3A_82, %select_n3A_83, %select_n3A_80 : i32
      %add3A_85 = arith.addi %select_n3A_84, %mul3A_6 : i32
      %add3A_86 = arith.constant 1 : i32
      %add3A_87 = arith.addi %select_n3A_75, %add3A_86 : i32
      %select_n3A_88 = arith.constant true
      %select_n3A_89 = arith.select %select_n3A_88, %add3A_87, %select_n3A_75 : i32
      %eq3A_90 = arith.constant 8 : i32
      %eq3A_91 = arith.cmpi eq, %select_n3A_89, %eq3A_90 : i32
      %select_n3A_92 = arith.constant 0 : i32
      %select_n3A_93 = arith.select %eq3A_91, %select_n3A_92, %select_n3A_89 : i32
      %add3A_94 = arith.addi %select_n3A_93, %mul3A_6 : i32
      %add3A_95 = arith.constant 1 : i32
      %add3A_96 = arith.addi %select_n3A_93, %add3A_95 : i32
      %select_n3A_97 = arith.constant true
      %select_n3A_98 = arith.select %select_n3A_97, %add3A_96, %select_n3A_93 : i32
      %eq3A_99 = arith.constant 8 : i32
      %eq3A_100 = arith.cmpi eq, %select_n3A_98, %eq3A_99 : i32
      %select_n3A_101 = arith.constant 0 : i32
      %select_n3A_102 = arith.select %eq3A_100, %select_n3A_101, %select_n3A_98 : i32
      %add3A_103 = arith.addi %select_n3A_102, %mul3A_6 : i32
      "tpu.trace_start"() <{level = 10 : i32, message = "ep_finalize"}> : () -> ()
      %rem3A_104 = arith.constant 2 : i32
      %rem3A_105 = arith.remui %scan3A_67#3, %rem3A_104 : i32
      %mul3A_106 = arith.constant 256 : i32
      %mul3A_107 = arith.muli %mul3A_106, %add3A_76 : i32
      %dma_wait3A = arith.constant 0 : i32
      %dma_wait3A_108 = arith.constant 0 : i32
      %dma_wait3A_109 = tpu.memref_slice %run_scoped3A_8[%rem3A_105, %dma_wait3A, %dma_wait3A_108] : memref<2x256x128xi32, #tpu.memory_space<vmem>> -> memref<1x256x128xi32, #tpu.memory_space<vmem>>
      %dma_wait3A_110 = tpu.memref_squeeze %dma_wait3A_109 : memref<1x256x128xi32, #tpu.memory_space<vmem>> -> memref<256x128xi32, #tpu.memory_space<vmem>>
      %dma_wait3A_111 = arith.constant 0 : i32
      %dma_wait3A_112 = tpu.memref_slice %arg4[%mul3A_107, %dma_wait3A_111] : memref<65536x128xi32, #tpu.memory_space<hbm>> -> memref<256x128xi32, #tpu.memory_space<hbm>>
      %dma_wait3A_113 = tpu.memref_slice %run_scoped3A_9[%rem3A_105] : memref<2x!tpu.dma_semaphore, #tpu.memory_space<semaphore_mem>> -> memref<1x!tpu.dma_semaphore, #tpu.memory_space<semaphore_mem>>
      %dma_wait3A_114 = tpu.memref_squeeze %dma_wait3A_113 : memref<1x!tpu.dma_semaphore, #tpu.memory_space<semaphore_mem>> -> memref<!tpu.dma_semaphore, #tpu.memory_space<semaphore_mem>>
      %dma_wait3A_115 = arith.constant 0 : i32
      %dma_wait3A_116 = tpu.memref_slice %arg4[%mul3A_107, %dma_wait3A_115] : memref<65536x128xi32, #tpu.memory_space<hbm>> -> memref<256x128xi32, #tpu.memory_space<hbm>>
      %dma_wait3A_117 = arith.constant 0 : i32
      %dma_wait3A_118 = arith.constant 0 : i32
      %dma_wait3A_119 = tpu.memref_slice %run_scoped3A_8[%rem3A_105, %dma_wait3A_117, %dma_wait3A_118] : memref<2x256x128xi32, #tpu.memory_space<vmem>> -> memref<1x256x128xi32, #tpu.memory_space<vmem>>
      %dma_wait3A_120 = tpu.memref_squeeze %dma_wait3A_119 : memref<1x256x128xi32, #tpu.memory_space<vmem>> -> memref<256x128xi32, #tpu.memory_space<vmem>>
      tpu.wait_dma2 semaphore(%dma_wait3A_114 : memref<!tpu.dma_semaphore, #tpu.memory_space<semaphore_mem>>) src(%dma_wait3A_120 : memref<256x128xi32, #tpu.memory_space<vmem>>) dst(%dma_wait3A_116 : memref<256x128xi32, #tpu.memory_space<hbm>>)
      "tpu.trace_stop"() : () -> ()
      tpu.yield
    }) : () -> ()
    return
  }
}

#map = affine_map<(d0, d1) -> (0, 0)>
module attributes {stable_mosaic.version = 14 : i64} {
  func.func @kern(%arg0: i32, %arg1: i32, %arg2: memref<32768x128xi32, #tpu.memory_space<hbm>>, %arg3: memref<1x65536xi32, #tpu.memory_space<hbm>>, %arg4: memref<65536x128xi32, #tpu.memory_space<hbm>>) attributes {dimension_semantics = [#tpu.dimension_semantics<core_parallel>, #tpu.dimension_semantics<subcore_parallel>], iteration_bounds = array<i64: 2, 16>, scalar_prefetch = 0 : i64, scratch_operands = 0 : i64, tpu.core_type = #tpu.core_type<sc_vector_subcore>, window_params = [{transform_indices = #map}, {transform_indices = #map}, {transform_indices = #map}]} {
    %mul3A = arith.constant 1 : i32
    %mul3A_0 = arith.muli %arg1, %mul3A : i32
    %add3A = arith.constant 0 : i32
    %add3A_1 = arith.addi %add3A, %mul3A_0 : i32
    %mul3A_2 = arith.constant 16 : i32
    %mul3A_3 = arith.muli %arg0, %mul3A_2 : i32
    %add3A_4 = arith.addi %add3A_1, %mul3A_3 : i32
    %mul3A_5 = arith.constant 8 : i32
    %mul3A_6 = arith.muli %add3A_4, %mul3A_5 : i32
    "tpu.region"() ({
      %run_scoped3A = memref.alloca() : memref<2x1x256xi32, #tpu.memory_space<vmem>>
      %run_scoped3A_7 = tpu.sem_alloc : memref<2x!tpu.dma_semaphore, #tpu.memory_space<semaphore_mem>>
      %run_scoped3A_8 = memref.alloca() : memref<2x256x128xi32, #tpu.memory_space<vmem>>
      %run_scoped3A_9 = tpu.sem_alloc : memref<2x!tpu.dma_semaphore, #tpu.memory_space<semaphore_mem>>
      %add3A_10 = arith.constant 0 : i32
      %add3A_11 = arith.addi %add3A_10, %mul3A_6 : i32
      %select_n3A = arith.constant true
      %select_n3A_12 = arith.constant 0 : i32
      %select_n3A_13 = arith.constant -1 : i32
      %select_n3A_14 = arith.select %select_n3A, %select_n3A_13, %select_n3A_12 : i32
      %eq3A = arith.constant -1 : i32
      %eq3A_15 = arith.cmpi eq, %select_n3A_14, %eq3A : i32
      %select_n3A_16 = arith.constant 7 : i32
      %select_n3A_17 = arith.select %eq3A_15, %select_n3A_16, %select_n3A_14 : i32
      %add3A_18 = arith.addi %select_n3A_17, %mul3A_6 : i32
      %select_n3A_19 = arith.constant true
      %select_n3A_20 = arith.constant 0 : i32
      %select_n3A_21 = arith.constant 1 : i32
      %select_n3A_22 = arith.select %select_n3A_19, %select_n3A_21, %select_n3A_20 : i32
      %eq3A_23 = arith.constant 8 : i32
      %eq3A_24 = arith.cmpi eq, %select_n3A_22, %eq3A_23 : i32
      %select_n3A_25 = arith.constant 0 : i32
      %select_n3A_26 = arith.select %eq3A_24, %select_n3A_25, %select_n3A_22 : i32
      %add3A_27 = arith.addi %select_n3A_26, %mul3A_6 : i32
      %add3A_28 = arith.constant 1 : i32
      %add3A_29 = arith.addi %select_n3A_26, %add3A_28 : i32
      %select_n3A_30 = arith.constant true
      %select_n3A_31 = arith.select %select_n3A_30, %add3A_29, %select_n3A_26 : i32
      %eq3A_32 = arith.constant 8 : i32
      %eq3A_33 = arith.cmpi eq, %select_n3A_31, %eq3A_32 : i32
      %select_n3A_34 = arith.constant 0 : i32
      %select_n3A_35 = arith.select %eq3A_33, %select_n3A_34, %select_n3A_31 : i32
      %add3A_36 = arith.addi %select_n3A_35, %mul3A_6 : i32
      "tpu.trace_start"() <{level = 10 : i32, message = "ep_initialize_0"}> : () -> ()
      %rem3A = arith.constant 0 : i32
      %rem3A_37 = arith.constant 2 : i32
      %rem3A_38 = arith.remui %rem3A, %rem3A_37 : i32
      %mul3A_39 = arith.constant 256 : i32
      %mul3A_40 = arith.muli %mul3A_39, %add3A_11 : i32
      %dma_start3A = arith.constant 0 : i32
      %dma_start3A_41 = arith.constant 0 : i32
      %dma_start3A_42 = tpu.memref_slice %run_scoped3A[%rem3A_38, %dma_start3A, %dma_start3A_41] : memref<2x1x256xi32, #tpu.memory_space<vmem>> -> memref<1x1x256xi32, #tpu.memory_space<vmem>>
      %dma_start3A_43 = tpu.memref_squeeze %dma_start3A_42 : memref<1x1x256xi32, #tpu.memory_space<vmem>> -> memref<1x256xi32, #tpu.memory_space<vmem>>
      %dma_start3A_44 = arith.constant 0 : i32
      %dma_start3A_45 = tpu.memref_slice %arg3[%dma_start3A_44, %mul3A_40] : memref<1x65536xi32, #tpu.memory_space<hbm>> -> memref<1x256xi32, #tpu.memory_space<hbm>>
      %dma_start3A_46 = tpu.memref_slice %run_scoped3A_7[%rem3A_38] : memref<2x!tpu.dma_semaphore, #tpu.memory_space<semaphore_mem>> -> memref<1x!tpu.dma_semaphore, #tpu.memory_space<semaphore_mem>>
      %dma_start3A_47 = tpu.memref_squeeze %dma_start3A_46 : memref<1x!tpu.dma_semaphore, #tpu.memory_space<semaphore_mem>> -> memref<!tpu.dma_semaphore, #tpu.memory_space<semaphore_mem>>
      %dma_start3A_48 = arith.constant 0 : i32
      %dma_start3A_49 = arith.constant 0 : i32
      %dma_start3A_50 = tpu.memref_slice %run_scoped3A[%rem3A_38, %dma_start3A_48, %dma_start3A_49] : memref<2x1x256xi32, #tpu.memory_space<vmem>> -> memref<1x1x256xi32, #tpu.memory_space<vmem>>
      %dma_start3A_51 = tpu.memref_squeeze %dma_start3A_50 : memref<1x1x256xi32, #tpu.memory_space<vmem>> -> memref<1x256xi32, #tpu.memory_space<vmem>>
      %dma_start3A_52 = arith.constant 0 : i32
      %dma_start3A_53 = tpu.memref_slice %arg3[%dma_start3A_52, %mul3A_40] : memref<1x65536xi32, #tpu.memory_space<hbm>> -> memref<1x256xi32, #tpu.memory_space<hbm>>
      tpu.enqueue_dma source(%dma_start3A_53 : memref<1x256xi32, #tpu.memory_space<hbm>>) target(%dma_start3A_51 : memref<1x256xi32, #tpu.memory_space<vmem>>) target_semaphore(%dma_start3A_47 : memref<!tpu.dma_semaphore, #tpu.memory_space<semaphore_mem>>)
      %add3A_54 = arith.constant 0 : i32
      %add3A_55 = arith.constant 1 : i32
      %add3A_56 = arith.addi %add3A_54, %add3A_55 : i32
      %select_n3A_57 = arith.constant true
      %select_n3A_58 = arith.constant 0 : i32
      %select_n3A_59 = arith.select %select_n3A_57, %add3A_56, %select_n3A_58 : i32
      "tpu.trace_stop"() : () -> ()
      %scan3A = arith.constant 0 : i32
      %scan3A_60 = arith.constant 0 : i32
      %scan3A_61 = arith.constant 0 : i32
      %scan3A_62 = arith.constant 0 : i32
      %scan3A_63 = arith.constant 0 : i32
      %scan3A_64 = arith.constant 8 : i32
      %scan3A_65 = arith.addi %scan3A_63, %scan3A_64 : i32
      %scan3A_66 = arith.constant 1 : i32
      %scan3A_67:5 = scf.for %scan3A_121 = %scan3A_63 to %scan3A_65 step %scan3A_66 iter_args(%scan3A_122 = %select_n3A_59, %scan3A_123 = %scan3A, %scan3A_124 = %scan3A_60, %scan3A_125 = %scan3A_61, %scan3A_126 = %scan3A_62) -> (i32, i32, i32, i32, i32)  : i32 {
        %eq3A_127 = arith.constant 0 : i32
        %eq3A_128 = arith.cmpi eq, %scan3A_121, %eq3A_127 : i32
        %eq3A_129 = arith.constant 7 : i32
        %eq3A_130 = arith.cmpi eq, %scan3A_121, %eq3A_129 : i32
        %add3A_131 = arith.addi %scan3A_126, %mul3A_6 : i32
        %sub3A_132 = arith.constant 1 : i32
        %sub3A_133 = arith.subi %scan3A_126, %sub3A_132 : i32
        %select_n3A_134 = arith.constant true
        %select_n3A_135 = arith.select %select_n3A_134, %sub3A_133, %scan3A_126 : i32
        %eq3A_136 = arith.constant -1 : i32
        %eq3A_137 = arith.cmpi eq, %select_n3A_135, %eq3A_136 : i32
        %select_n3A_138 = arith.constant 7 : i32
        %select_n3A_139 = arith.select %eq3A_137, %select_n3A_138, %select_n3A_135 : i32
        %add3A_140 = arith.addi %select_n3A_139, %mul3A_6 : i32
        %add3A_141 = arith.constant 1 : i32
        %add3A_142 = arith.addi %scan3A_126, %add3A_141 : i32
        %select_n3A_143 = arith.constant true
        %select_n3A_144 = arith.select %select_n3A_143, %add3A_142, %scan3A_126 : i32
        %eq3A_145 = arith.constant 8 : i32
        %eq3A_146 = arith.cmpi eq, %select_n3A_144, %eq3A_145 : i32
        %select_n3A_147 = arith.constant 0 : i32
        %select_n3A_148 = arith.select %eq3A_146, %select_n3A_147, %select_n3A_144 : i32
        %add3A_149 = arith.addi %select_n3A_148, %mul3A_6 : i32
        %add3A_150 = arith.constant 1 : i32
        %add3A_151 = arith.addi %select_n3A_148, %add3A_150 : i32
        %select_n3A_152 = arith.constant true
        %select_n3A_153 = arith.select %select_n3A_152, %add3A_151, %select_n3A_148 : i32
        %eq3A_154 = arith.constant 8 : i32
        %eq3A_155 = arith.cmpi eq, %select_n3A_153, %eq3A_154 : i32
        %select_n3A_156 = arith.constant 0 : i32
        %select_n3A_157 = arith.select %eq3A_155, %select_n3A_156, %select_n3A_153 : i32
        %add3A_158 = arith.addi %select_n3A_157, %mul3A_6 : i32
        %ne3A = arith.cmpi ne, %add3A_131, %add3A_149 : i32
        %or3A = arith.constant false
        %or3A_159 = arith.ori %or3A, %ne3A : i1
        %ge3A = arith.constant 7 : i32
        %ge3A_160 = arith.cmpi sge, %scan3A_121, %ge3A : i32
        %not3A = arith.constant true
        %not3A_161 = arith.xori %ge3A_160, %not3A : i1
        %and3A = arith.andi %or3A_159, %not3A_161 : i1
        %convert_element_type3A = arith.extui %and3A : i1 to i32
        %cond3A = arith.constant 0 : i32
        %cond3A_162 = arith.cmpi ne, %convert_element_type3A, %cond3A : i32
        scf.if %cond3A_162 {
          "tpu.trace_start"() <{level = 10 : i32, message = "ep_copy_in"}> : () -> ()
          %rem3A_264 = arith.constant 2 : i32
          %rem3A_265 = arith.remui %scan3A_122, %rem3A_264 : i32
          %mul3A_266 = arith.constant 256 : i32
          %mul3A_267 = arith.muli %mul3A_266, %add3A_149 : i32
          %dma_start3A_268 = arith.constant 0 : i32
          %dma_start3A_269 = arith.constant 0 : i32
          %dma_start3A_270 = tpu.memref_slice %run_scoped3A[%rem3A_265, %dma_start3A_268, %dma_start3A_269] : memref<2x1x256xi32, #tpu.memory_space<vmem>> -> memref<1x1x256xi32, #tpu.memory_space<vmem>>
          %dma_start3A_271 = tpu.memref_squeeze %dma_start3A_270 : memref<1x1x256xi32, #tpu.memory_space<vmem>> -> memref<1x256xi32, #tpu.memory_space<vmem>>
          %dma_start3A_272 = arith.constant 0 : i32
          %dma_start3A_273 = tpu.memref_slice %arg3[%dma_start3A_272, %mul3A_267] : memref<1x65536xi32, #tpu.memory_space<hbm>> -> memref<1x256xi32, #tpu.memory_space<hbm>>
          %dma_start3A_274 = tpu.memref_slice %run_scoped3A_7[%rem3A_265] : memref<2x!tpu.dma_semaphore, #tpu.memory_space<semaphore_mem>> -> memref<1x!tpu.dma_semaphore, #tpu.memory_space<semaphore_mem>>
          %dma_start3A_275 = tpu.memref_squeeze %dma_start3A_274 : memref<1x!tpu.dma_semaphore, #tpu.memory_space<semaphore_mem>> -> memref<!tpu.dma_semaphore, #tpu.memory_space<semaphore_mem>>
          %dma_start3A_276 = arith.constant 0 : i32
          %dma_start3A_277 = arith.constant 0 : i32
          %dma_start3A_278 = tpu.memref_slice %run_scoped3A[%rem3A_265, %dma_start3A_276, %dma_start3A_277] : memref<2x1x256xi32, #tpu.memory_space<vmem>> -> memref<1x1x256xi32, #tpu.memory_space<vmem>>
          %dma_start3A_279 = tpu.memref_squeeze %dma_start3A_278 : memref<1x1x256xi32, #tpu.memory_space<vmem>> -> memref<1x256xi32, #tpu.memory_space<vmem>>
          %dma_start3A_280 = arith.constant 0 : i32
          %dma_start3A_281 = tpu.memref_slice %arg3[%dma_start3A_280, %mul3A_267] : memref<1x65536xi32, #tpu.memory_space<hbm>> -> memref<1x256xi32, #tpu.memory_space<hbm>>
          tpu.enqueue_dma source(%dma_start3A_281 : memref<1x256xi32, #tpu.memory_space<hbm>>) target(%dma_start3A_279 : memref<1x256xi32, #tpu.memory_space<vmem>>) target_semaphore(%dma_start3A_275 : memref<!tpu.dma_semaphore, #tpu.memory_space<semaphore_mem>>)
          "tpu.trace_stop"() : () -> ()
        } else {
        }
        %and3A_163 = arith.constant true
        %and3A_164 = arith.andi %and3A, %and3A_163 : i1
        %add3A_165 = arith.constant 1 : i32
        %add3A_166 = arith.addi %scan3A_122, %add3A_165 : i32
        %select_n3A_167 = arith.select %and3A_164, %add3A_166, %scan3A_122 : i32
        %ne3A_168 = arith.cmpi ne, %add3A_131, %add3A_149 : i32
        %or3A_169 = arith.constant false
        %or3A_170 = arith.ori %or3A_169, %ne3A_168 : i1
        %or3A_171 = arith.constant false
        %or3A_172 = arith.ori %or3A_170, %or3A_171 : i1
        %ge3A_173 = arith.constant 7 : i32
        %ge3A_174 = arith.cmpi sge, %scan3A_121, %ge3A_173 : i32
        %not3A_175 = arith.constant true
        %not3A_176 = arith.xori %ge3A_174, %not3A_175 : i1
        %and3A_177 = arith.andi %or3A_172, %not3A_176 : i1
        %ne3A_178 = arith.cmpi ne, %add3A_131, %add3A_140 : i32
        %or3A_179 = arith.constant false
        %or3A_180 = arith.ori %or3A_179, %ne3A_178 : i1
        %or3A_181 = arith.ori %or3A_180, %eq3A_128 : i1
        %convert_element_type3A_182 = arith.extui %or3A_181 : i1 to i32
        %cond3A_183 = arith.constant 0 : i32
        %cond3A_184 = arith.cmpi ne, %convert_element_type3A_182, %cond3A_183 : i32
        scf.if %cond3A_184 {
          "tpu.trace_start"() <{level = 10 : i32, message = "ep_wait_in"}> : () -> ()
          %mul3A_264 = arith.constant 256 : i32
          %mul3A_265 = arith.muli %mul3A_264, %add3A_131 : i32
          %rem3A_266 = arith.constant 2 : i32
          %rem3A_267 = arith.remui %scan3A_123, %rem3A_266 : i32
          %dma_wait3A_268 = arith.constant 0 : i32
          %dma_wait3A_269 = arith.constant 0 : i32
          %dma_wait3A_270 = tpu.memref_slice %run_scoped3A[%rem3A_267, %dma_wait3A_268, %dma_wait3A_269] : memref<2x1x256xi32, #tpu.memory_space<vmem>> -> memref<1x1x256xi32, #tpu.memory_space<vmem>>
          %dma_wait3A_271 = tpu.memref_squeeze %dma_wait3A_270 : memref<1x1x256xi32, #tpu.memory_space<vmem>> -> memref<1x256xi32, #tpu.memory_space<vmem>>
          %dma_wait3A_272 = arith.constant 0 : i32
          %dma_wait3A_273 = tpu.memref_slice %arg3[%dma_wait3A_272, %mul3A_265] : memref<1x65536xi32, #tpu.memory_space<hbm>> -> memref<1x256xi32, #tpu.memory_space<hbm>>
          %dma_wait3A_274 = tpu.memref_slice %run_scoped3A_7[%rem3A_267] : memref<2x!tpu.dma_semaphore, #tpu.memory_space<semaphore_mem>> -> memref<1x!tpu.dma_semaphore, #tpu.memory_space<semaphore_mem>>
          %dma_wait3A_275 = tpu.memref_squeeze %dma_wait3A_274 : memref<1x!tpu.dma_semaphore, #tpu.memory_space<semaphore_mem>> -> memref<!tpu.dma_semaphore, #tpu.memory_space<semaphore_mem>>
          %dma_wait3A_276 = arith.constant 0 : i32
          %dma_wait3A_277 = arith.constant 0 : i32
          %dma_wait3A_278 = tpu.memref_slice %run_scoped3A[%rem3A_267, %dma_wait3A_276, %dma_wait3A_277] : memref<2x1x256xi32, #tpu.memory_space<vmem>> -> memref<1x1x256xi32, #tpu.memory_space<vmem>>
          %dma_wait3A_279 = tpu.memref_squeeze %dma_wait3A_278 : memref<1x1x256xi32, #tpu.memory_space<vmem>> -> memref<1x256xi32, #tpu.memory_space<vmem>>
          %dma_wait3A_280 = arith.constant 0 : i32
          %dma_wait3A_281 = tpu.memref_slice %arg3[%dma_wait3A_280, %mul3A_265] : memref<1x65536xi32, #tpu.memory_space<hbm>> -> memref<1x256xi32, #tpu.memory_space<hbm>>
          tpu.wait_dma2 semaphore(%dma_wait3A_275 : memref<!tpu.dma_semaphore, #tpu.memory_space<semaphore_mem>>) src(%dma_wait3A_281 : memref<1x256xi32, #tpu.memory_space<hbm>>) dst(%dma_wait3A_279 : memref<1x256xi32, #tpu.memory_space<vmem>>)
          "tpu.trace_stop"() : () -> ()
        } else {
        }
        %ne3A_185 = arith.cmpi ne, %add3A_131, %add3A_140 : i32
        %or3A_186 = arith.constant false
        %or3A_187 = arith.ori %or3A_186, %ne3A_185 : i1
        %or3A_188 = arith.constant false
        %or3A_189 = arith.ori %or3A_187, %or3A_188 : i1
        %or3A_190 = arith.ori %or3A_189, %eq3A_128 : i1
        %convert_element_type3A_191 = arith.extui %or3A_190 : i1 to i32
        %cond3A_192 = arith.constant 0 : i32
        %cond3A_193 = arith.cmpi ne, %convert_element_type3A_191, %cond3A_192 : i32
        scf.if %cond3A_193 {
        } else {
        }
        %rem3A_194 = arith.constant 2 : i32
        %rem3A_195 = arith.remui %scan3A_123, %rem3A_194 : i32
        %rem3A_196 = arith.constant 2 : i32
        %rem3A_197 = arith.remui %scan3A_124, %rem3A_196 : i32
        %run_scoped3A_198 = arith.constant 0 : i32
        "tpu.trace_start"() <{level = 10 : i32, message = "ep_run_kernel"}> : () -> ()
        "tpu.region"() ({
          %run_scoped3A_264 = tpu.sem_alloc : memref<!tpu.dma_semaphore, #tpu.memory_space<semaphore_mem>>
          %dma_start3A_265 = arith.constant 0 : i32
          %dma_start3A_266 = arith.constant 0 : i32
          %dma_start3A_267 = tpu.memref_slice %run_scoped3A_8[%rem3A_197, %dma_start3A_265, %dma_start3A_266] : memref<2x256x128xi32, #tpu.memory_space<vmem>> -> memref<1x256x128xi32, #tpu.memory_space<vmem>>
          %dma_start3A_268 = tpu.memref_squeeze %dma_start3A_267 : memref<1x256x128xi32, #tpu.memory_space<vmem>> -> memref<256x128xi32, #tpu.memory_space<vmem>>
          %dma_start3A_269 = arith.constant 0 : i32
          %dma_start3A_270 = arith.constant 0 : i32
          %dma_start3A_271 = tpu.memref_slice %run_scoped3A[%rem3A_195, %dma_start3A_269, %dma_start3A_270] : memref<2x1x256xi32, #tpu.memory_space<vmem>> -> memref<1x1x256xi32, #tpu.memory_space<vmem>>
          %dma_start3A_272 = tpu.memref_squeeze %dma_start3A_271 : memref<1x1x256xi32, #tpu.memory_space<vmem>> -> memref<1x256xi32, #tpu.memory_space<vmem>>
          %dma_start3A_273 = arith.constant 0 : i32
          %dma_start3A_274 = tpu.memref_slice %dma_start3A_272[%run_scoped3A_198, %dma_start3A_273] : memref<1x256xi32, #tpu.memory_space<vmem>> -> memref<1x256xi32, #tpu.memory_space<vmem>>
          %dma_start3A_275 = tpu.memref_squeeze %dma_start3A_274 : memref<1x256xi32, #tpu.memory_space<vmem>> -> memref<256xi32, #tpu.memory_space<vmem>>
          %dma_start3A_276 = arith.constant 0 : i32
          %dma_start3A_277 = arith.constant 0 : i32
          %dma_start3A_278 = tpu.memref_slice %arg2[%dma_start3A_276, %dma_start3A_277] : memref<32768x128xi32, #tpu.memory_space<hbm>> -> memref<32768x128xi32, #tpu.memory_space<hbm>>
          tpu.enqueue_indirect_dma source(%dma_start3A_278 : memref<32768x128xi32, #tpu.memory_space<hbm>>) target(%dma_start3A_268 : memref<256x128xi32, #tpu.memory_space<vmem>>) offsets(%dma_start3A_275 : memref<256xi32, #tpu.memory_space<vmem>>) semaphore(%run_scoped3A_264 : memref<!tpu.dma_semaphore, #tpu.memory_space<semaphore_mem>>)
          %dma_wait3A_279 = arith.constant 0 : i32
          %dma_wait3A_280 = arith.constant 0 : i32
          %dma_wait3A_281 = tpu.memref_slice %run_scoped3A_8[%rem3A_197, %dma_wait3A_279, %dma_wait3A_280] : memref<2x256x128xi32, #tpu.memory_space<vmem>> -> memref<1x256x128xi32, #tpu.memory_space<vmem>>
          %dma_wait3A_282 = tpu.memref_squeeze %dma_wait3A_281 : memref<1x256x128xi32, #tpu.memory_space<vmem>> -> memref<256x128xi32, #tpu.memory_space<vmem>>
          %dma_wait3A_283 = arith.constant 0 : i32
          %dma_wait3A_284 = arith.constant 0 : i32
          %dma_wait3A_285 = tpu.memref_slice %run_scoped3A[%rem3A_195, %dma_wait3A_283, %dma_wait3A_284] : memref<2x1x256xi32, #tpu.memory_space<vmem>> -> memref<1x1x256xi32, #tpu.memory_space<vmem>>
          %dma_wait3A_286 = tpu.memref_squeeze %dma_wait3A_285 : memref<1x1x256xi32, #tpu.memory_space<vmem>> -> memref<1x256xi32, #tpu.memory_space<vmem>>
          %dma_wait3A_287 = arith.constant 0 : i32
          %dma_wait3A_288 = tpu.memref_slice %dma_wait3A_286[%run_scoped3A_198, %dma_wait3A_287] : memref<1x256xi32, #tpu.memory_space<vmem>> -> memref<1x256xi32, #tpu.memory_space<vmem>>
          %dma_wait3A_289 = tpu.memref_squeeze %dma_wait3A_288 : memref<1x256xi32, #tpu.memory_space<vmem>> -> memref<256xi32, #tpu.memory_space<vmem>>
          %dma_wait3A_290 = arith.constant 0 : i32
          %dma_wait3A_291 = arith.constant 0 : i32
          %dma_wait3A_292 = tpu.memref_slice %arg2[%dma_wait3A_290, %dma_wait3A_291] : memref<32768x128xi32, #tpu.memory_space<hbm>> -> memref<32768x128xi32, #tpu.memory_space<hbm>>
          tpu.wait_indirect_dma semaphore(%run_scoped3A_264 : memref<!tpu.dma_semaphore, #tpu.memory_space<semaphore_mem>>) src(%dma_wait3A_292 : memref<32768x128xi32, #tpu.memory_space<hbm>>) dst(%dma_wait3A_282 : memref<256x128xi32, #tpu.memory_space<vmem>>)
          tpu.yield
        }) : () -> ()
        "tpu.trace_stop"() : () -> ()
        %ne3A_199 = arith.cmpi ne, %add3A_131, %add3A_149 : i32
        %or3A_200 = arith.constant false
        %or3A_201 = arith.ori %or3A_200, %ne3A_199 : i1
        %or3A_202 = arith.ori %or3A_201, %eq3A_130 : i1
        %convert_element_type3A_203 = arith.extui %or3A_202 : i1 to i32
        %cond3A_204 = arith.constant 0 : i32
        %cond3A_205 = arith.cmpi ne, %convert_element_type3A_203, %cond3A_204 : i32
        scf.if %cond3A_205 {
        } else {
        }
        %and3A_206 = arith.constant false
        %and3A_207 = arith.andi %or3A_202, %and3A_206 : i1
        %ne3A_208 = arith.cmpi ne, %add3A_131, %add3A_149 : i32
        %or3A_209 = arith.constant false
        %or3A_210 = arith.ori %or3A_209, %ne3A_208 : i1
        %or3A_211 = arith.constant false
        %or3A_212 = arith.ori %or3A_210, %or3A_211 : i1
        %or3A_213 = arith.ori %or3A_212, %eq3A_130 : i1
        %convert_element_type3A_214 = arith.extui %or3A_213 : i1 to i32
        %cond3A_215 = arith.constant 0 : i32
        %cond3A_216 = arith.cmpi ne, %convert_element_type3A_214, %cond3A_215 : i32
        scf.if %cond3A_216 {
          "tpu.trace_start"() <{level = 10 : i32, message = "ep_copy_out"}> : () -> ()
          %rem3A_264 = arith.constant 2 : i32
          %rem3A_265 = arith.remui %scan3A_124, %rem3A_264 : i32
          %mul3A_266 = arith.constant 256 : i32
          %mul3A_267 = arith.muli %mul3A_266, %add3A_131 : i32
          %dma_start3A_268 = arith.constant 0 : i32
          %dma_start3A_269 = arith.constant 0 : i32
          %dma_start3A_270 = tpu.memref_slice %run_scoped3A_8[%rem3A_265, %dma_start3A_268, %dma_start3A_269] : memref<2x256x128xi32, #tpu.memory_space<vmem>> -> memref<1x256x128xi32, #tpu.memory_space<vmem>>
          %dma_start3A_271 = tpu.memref_squeeze %dma_start3A_270 : memref<1x256x128xi32, #tpu.memory_space<vmem>> -> memref<256x128xi32, #tpu.memory_space<vmem>>
          %dma_start3A_272 = arith.constant 0 : i32
          %dma_start3A_273 = tpu.memref_slice %arg4[%mul3A_267, %dma_start3A_272] : memref<65536x128xi32, #tpu.memory_space<hbm>> -> memref<256x128xi32, #tpu.memory_space<hbm>>
          %dma_start3A_274 = tpu.memref_slice %run_scoped3A_9[%rem3A_265] : memref<2x!tpu.dma_semaphore, #tpu.memory_space<semaphore_mem>> -> memref<1x!tpu.dma_semaphore, #tpu.memory_space<semaphore_mem>>
          %dma_start3A_275 = tpu.memref_squeeze %dma_start3A_274 : memref<1x!tpu.dma_semaphore, #tpu.memory_space<semaphore_mem>> -> memref<!tpu.dma_semaphore, #tpu.memory_space<semaphore_mem>>
          %dma_start3A_276 = arith.constant 0 : i32
          %dma_start3A_277 = tpu.memref_slice %arg4[%mul3A_267, %dma_start3A_276] : memref<65536x128xi32, #tpu.memory_space<hbm>> -> memref<256x128xi32, #tpu.memory_space<hbm>>
          %dma_start3A_278 = arith.constant 0 : i32
          %dma_start3A_279 = arith.constant 0 : i32
          %dma_start3A_280 = tpu.memref_slice %run_scoped3A_8[%rem3A_265, %dma_start3A_278, %dma_start3A_279] : memref<2x256x128xi32, #tpu.memory_space<vmem>> -> memref<1x256x128xi32, #tpu.memory_space<vmem>>
          %dma_start3A_281 = tpu.memref_squeeze %dma_start3A_280 : memref<1x256x128xi32, #tpu.memory_space<vmem>> -> memref<256x128xi32, #tpu.memory_space<vmem>>
          tpu.enqueue_dma source(%dma_start3A_281 : memref<256x128xi32, #tpu.memory_space<vmem>>) target(%dma_start3A_277 : memref<256x128xi32, #tpu.memory_space<hbm>>) target_semaphore(%dma_start3A_275 : memref<!tpu.dma_semaphore, #tpu.memory_space<semaphore_mem>>)
          "tpu.trace_stop"() : () -> ()
        } else {
        }
        %and3A_217 = arith.constant true
        %and3A_218 = arith.andi %or3A_213, %and3A_217 : i1
        %add3A_219 = arith.constant 1 : i32
        %add3A_220 = arith.addi %scan3A_124, %add3A_219 : i32
        %select_n3A_221 = arith.select %and3A_218, %add3A_220, %scan3A_124 : i32
        %ne3A_222 = arith.cmpi ne, %add3A_131, %add3A_140 : i32
        %or3A_223 = arith.constant false
        %or3A_224 = arith.ori %or3A_223, %ne3A_222 : i1
        %not3A_225 = arith.constant true
        %not3A_226 = arith.xori %eq3A_128, %not3A_225 : i1
        %and3A_227 = arith.andi %or3A_224, %not3A_226 : i1
        %convert_element_type3A_228 = arith.extui %and3A_227 : i1 to i32
        %cond3A_229 = arith.constant 0 : i32
        %cond3A_230 = arith.cmpi ne, %convert_element_type3A_228, %cond3A_229 : i32
        scf.if %cond3A_230 {
        } else {
        }
        %and3A_231 = arith.constant false
        %and3A_232 = arith.andi %and3A_227, %and3A_231 : i1
        %ne3A_233 = arith.cmpi ne, %add3A_131, %add3A_140 : i32
        %or3A_234 = arith.constant false
        %or3A_235 = arith.ori %or3A_234, %ne3A_233 : i1
        %or3A_236 = arith.constant false
        %or3A_237 = arith.ori %or3A_235, %or3A_236 : i1
        %not3A_238 = arith.constant true
        %not3A_239 = arith.xori %eq3A_128, %not3A_238 : i1
        %and3A_240 = arith.andi %or3A_237, %not3A_239 : i1
        %convert_element_type3A_241 = arith.extui %and3A_240 : i1 to i32
        %cond3A_242 = arith.constant 0 : i32
        %cond3A_243 = arith.cmpi ne, %convert_element_type3A_241, %cond3A_242 : i32
        scf.if %cond3A_243 {
          "tpu.trace_start"() <{level = 10 : i32, message = "ep_wait_out"}> : () -> ()
          %rem3A_264 = arith.constant 2 : i32
          %rem3A_265 = arith.remui %scan3A_125, %rem3A_264 : i32
          %mul3A_266 = arith.constant 256 : i32
          %mul3A_267 = arith.muli %mul3A_266, %add3A_140 : i32
          %dma_wait3A_268 = arith.constant 0 : i32
          %dma_wait3A_269 = arith.constant 0 : i32
          %dma_wait3A_270 = tpu.memref_slice %run_scoped3A_8[%rem3A_265, %dma_wait3A_268, %dma_wait3A_269] : memref<2x256x128xi32, #tpu.memory_space<vmem>> -> memref<1x256x128xi32, #tpu.memory_space<vmem>>
          %dma_wait3A_271 = tpu.memref_squeeze %dma_wait3A_270 : memref<1x256x128xi32, #tpu.memory_space<vmem>> -> memref<256x128xi32, #tpu.memory_space<vmem>>
          %dma_wait3A_272 = arith.constant 0 : i32
          %dma_wait3A_273 = tpu.memref_slice %arg4[%mul3A_267, %dma_wait3A_272] : memref<65536x128xi32, #tpu.memory_space<hbm>> -> memref<256x128xi32, #tpu.memory_space<hbm>>
          %dma_wait3A_274 = tpu.memref_slice %run_scoped3A_9[%rem3A_265] : memref<2x!tpu.dma_semaphore, #tpu.memory_space<semaphore_mem>> -> memref<1x!tpu.dma_semaphore, #tpu.memory_space<semaphore_mem>>
          %dma_wait3A_275 = tpu.memref_squeeze %dma_wait3A_274 : memref<1x!tpu.dma_semaphore, #tpu.memory_space<semaphore_mem>> -> memref<!tpu.dma_semaphore, #tpu.memory_space<semaphore_mem>>
          %dma_wait3A_276 = arith.constant 0 : i32
          %dma_wait3A_277 = tpu.memref_slice %arg4[%mul3A_267, %dma_wait3A_276] : memref<65536x128xi32, #tpu.memory_space<hbm>> -> memref<256x128xi32, #tpu.memory_space<hbm>>
          %dma_wait3A_278 = arith.constant 0 : i32
          %dma_wait3A_279 = arith.constant 0 : i32
          %dma_wait3A_280 = tpu.memref_slice %run_scoped3A_8[%rem3A_265, %dma_wait3A_278, %dma_wait3A_279] : memref<2x256x128xi32, #tpu.memory_space<vmem>> -> memref<1x256x128xi32, #tpu.memory_space<vmem>>
          %dma_wait3A_281 = tpu.memref_squeeze %dma_wait3A_280 : memref<1x256x128xi32, #tpu.memory_space<vmem>> -> memref<256x128xi32, #tpu.memory_space<vmem>>
          tpu.wait_dma2 semaphore(%dma_wait3A_275 : memref<!tpu.dma_semaphore, #tpu.memory_space<semaphore_mem>>) src(%dma_wait3A_281 : memref<256x128xi32, #tpu.memory_space<vmem>>) dst(%dma_wait3A_277 : memref<256x128xi32, #tpu.memory_space<hbm>>)
          "tpu.trace_stop"() : () -> ()
        } else {
        }
        %and3A_244 = arith.constant true
        %and3A_245 = arith.andi %and3A_240, %and3A_244 : i1
        %add3A_246 = arith.constant 1 : i32
        %add3A_247 = arith.addi %scan3A_125, %add3A_246 : i32
        %select_n3A_248 = arith.select %and3A_245, %add3A_247, %scan3A_125 : i32
        %ne3A_249 = arith.cmpi ne, %add3A_131, %add3A_149 : i32
        %or3A_250 = arith.constant false
        %or3A_251 = arith.ori %or3A_250, %ne3A_249 : i1
        %or3A_252 = arith.ori %or3A_251, %eq3A_130 : i1
        %add3A_253 = arith.constant 1 : i32
        %add3A_254 = arith.addi %scan3A_123, %add3A_253 : i32
        %select_n3A_255 = arith.select %or3A_252, %add3A_254, %scan3A_123 : i32
        %add3A_256 = arith.constant 1 : i32
        %add3A_257 = arith.addi %scan3A_126, %add3A_256 : i32
        %select_n3A_258 = arith.constant true
        %select_n3A_259 = arith.select %select_n3A_258, %add3A_257, %scan3A_126 : i32
        %eq3A_260 = arith.constant 8 : i32
        %eq3A_261 = arith.cmpi eq, %select_n3A_259, %eq3A_260 : i32
        %select_n3A_262 = arith.constant 0 : i32
        %select_n3A_263 = arith.select %eq3A_261, %select_n3A_262, %select_n3A_259 : i32
        scf.yield %select_n3A_167, %select_n3A_255, %select_n3A_221, %select_n3A_248, %select_n3A_263 : i32, i32, i32, i32, i32
      }
      %scan3A_68 = arith.constant 8 : i32
      %sub3A = arith.constant 1 : i32
      %sub3A_69 = arith.subi %scan3A_67#4, %sub3A : i32
      %select_n3A_70 = arith.constant true
      %select_n3A_71 = arith.select %select_n3A_70, %sub3A_69, %scan3A_67#4 : i32
      %eq3A_72 = arith.constant -1 : i32
      %eq3A_73 = arith.cmpi eq, %select_n3A_71, %eq3A_72 : i32
      %select_n3A_74 = arith.constant 7 : i32
      %select_n3A_75 = arith.select %eq3A_73, %select_n3A_74, %select_n3A_71 : i32
      %add3A_76 = arith.addi %select_n3A_75, %mul3A_6 : i32
      %sub3A_77 = arith.constant 1 : i32
      %sub3A_78 = arith.subi %select_n3A_75, %sub3A_77 : i32
      %select_n3A_79 = arith.constant true
      %select_n3A_80 = arith.select %select_n3A_79, %sub3A_78, %select_n3A_75 : i32
      %eq3A_81 = arith.constant -1 : i32
      %eq3A_82 = arith.cmpi eq, %select_n3A_80, %eq3A_81 : i32
      %select_n3A_83 = arith.constant 7 : i32
      %select_n3A_84 = arith.select %eq3A_82, %select_n3A_83, %select_n3A_80 : i32
      %add3A_85 = arith.addi %select_n3A_84, %mul3A_6 : i32
      %add3A_86 = arith.constant 1 : i32
      %add3A_87 = arith.addi %select_n3A_75, %add3A_86 : i32
      %select_n3A_88 = arith.constant true
      %select_n3A_89 = arith.select %select_n3A_88, %add3A_87, %select_n3A_75 : i32
      %eq3A_90 = arith.constant 8 : i32
      %eq3A_91 = arith.cmpi eq, %select_n3A_89, %eq3A_90 : i32
      %select_n3A_92 = arith.constant 0 : i32
      %select_n3A_93 = arith.select %eq3A_91, %select_n3A_92, %select_n3A_89 : i32
      %add3A_94 = arith.addi %select_n3A_93, %mul3A_6 : i32
      %add3A_95 = arith.constant 1 : i32
      %add3A_96 = arith.addi %select_n3A_93, %add3A_95 : i32
      %select_n3A_97 = arith.constant true
      %select_n3A_98 = arith.select %select_n3A_97, %add3A_96, %select_n3A_93 : i32
      %eq3A_99 = arith.constant 8 : i32
      %eq3A_100 = arith.cmpi eq, %select_n3A_98, %eq3A_99 : i32
      %select_n3A_101 = arith.constant 0 : i32
      %select_n3A_102 = arith.select %eq3A_100, %select_n3A_101, %select_n3A_98 : i32
      %add3A_103 = arith.addi %select_n3A_102, %mul3A_6 : i32
      "tpu.trace_start"() <{level = 10 : i32, message = "ep_finalize"}> : () -> ()
      %rem3A_104 = arith.constant 2 : i32
      %rem3A_105 = arith.remui %scan3A_67#3, %rem3A_104 : i32
      %mul3A_106 = arith.constant 256 : i32
      %mul3A_107 = arith.muli %mul3A_106, %add3A_76 : i32
      %dma_wait3A = arith.constant 0 : i32
      %dma_wait3A_108 = arith.constant 0 : i32
      %dma_wait3A_109 = tpu.memref_slice %run_scoped3A_8[%rem3A_105, %dma_wait3A, %dma_wait3A_108] : memref<2x256x128xi32, #tpu.memory_space<vmem>> -> memref<1x256x128xi32, #tpu.memory_space<vmem>>
      %dma_wait3A_110 = tpu.memref_squeeze %dma_wait3A_109 : memref<1x256x128xi32, #tpu.memory_space<vmem>> -> memref<256x128xi32, #tpu.memory_space<vmem>>
      %dma_wait3A_111 = arith.constant 0 : i32
      %dma_wait3A_112 = tpu.memref_slice %arg4[%mul3A_107, %dma_wait3A_111] : memref<65536x128xi32, #tpu.memory_space<hbm>> -> memref<256x128xi32, #tpu.memory_space<hbm>>
      %dma_wait3A_113 = tpu.memref_slice %run_scoped3A_9[%rem3A_105] : memref<2x!tpu.dma_semaphore, #tpu.memory_space<semaphore_mem>> -> memref<1x!tpu.dma_semaphore, #tpu.memory_space<semaphore_mem>>
      %dma_wait3A_114 = tpu.memref_squeeze %dma_wait3A_113 : memref<1x!tpu.dma_semaphore, #tpu.memory_space<semaphore_mem>> -> memref<!tpu.dma_semaphore, #tpu.memory_space<semaphore_mem>>
      %dma_wait3A_115 = arith.constant 0 : i32
      %dma_wait3A_116 = tpu.memref_slice %arg4[%mul3A_107, %dma_wait3A_115] : memref<65536x128xi32, #tpu.memory_space<hbm>> -> memref<256x128xi32, #tpu.memory_space<hbm>>
      %dma_wait3A_117 = arith.constant 0 : i32
      %dma_wait3A_118 = arith.constant 0 : i32
      %dma_wait3A_119 = tpu.memref_slice %run_scoped3A_8[%rem3A_105, %dma_wait3A_117, %dma_wait3A_118] : memref<2x256x128xi32, #tpu.memory_space<vmem>> -> memref<1x256x128xi32, #tpu.memory_space<vmem>>
      %dma_wait3A_120 = tpu.memref_squeeze %dma_wait3A_119 : memref<1x256x128xi32, #tpu.memory_space<vmem>> -> memref<256x128xi32, #tpu.memory_space<vmem>>
      tpu.wait_dma2 semaphore(%dma_wait3A_114 : memref<!tpu.dma_semaphore, #tpu.memory_space<semaphore_mem>>) src(%dma_wait3A_120 : memref<256x128xi32, #tpu.memory_space<vmem>>) dst(%dma_wait3A_116 : memref<256x128xi32, #tpu.memory_space<hbm>>)
      "tpu.trace_stop"() : () -> ()
      tpu.yield
    }) : () -> ()
    return
  }
}

module attributes {stable_mosaic.version = 14 : i64} {
  func.func @_fps_body(%arg0: memref<8x4096xf32, #tpu.memory_space<vmem>>, %arg1: memref<8x4096xf32, #tpu.memory_space<vmem>>, %arg2: memref<8x4096xf32, #tpu.memory_space<vmem>>, %arg3: memref<8x1024xi32, #tpu.memory_space<vmem>>, %arg4: memref<8x1024xf32, #tpu.memory_space<vmem>>, %arg5: memref<8x1024xf32, #tpu.memory_space<vmem>>, %arg6: memref<8x1024xf32, #tpu.memory_space<vmem>>) attributes {dimension_semantics = [], scalar_prefetch = 0 : i64, scratch_operands = 0 : i64, tpu.core_type = #tpu.core_type<tc>} {
    %get3A = arith.constant 0 : index
    %get3A_0 = arith.constant 0 : index
    %get3A_1 = vector.load %arg0[%get3A, %get3A_0] : memref<8x4096xf32, #tpu.memory_space<vmem>>, vector<8x4096xf32>
    %get3A_2 = arith.constant 0 : index
    %get3A_3 = arith.constant 0 : index
    %get3A_4 = vector.load %arg1[%get3A_2, %get3A_3] : memref<8x4096xf32, #tpu.memory_space<vmem>>, vector<8x4096xf32>
    %get3A_5 = arith.constant 0 : index
    %get3A_6 = arith.constant 0 : index
    %get3A_7 = vector.load %arg2[%get3A_5, %get3A_6] : memref<8x4096xf32, #tpu.memory_space<vmem>>, vector<8x4096xf32>
    %iota3A = tpu.iota {dimensions = array<i32: 1>} : vector<8x4096xi32>
    %convert_element_type3A = arith.sitofp %iota3A : vector<8x4096xi32> to vector<8x4096xf32>
    %mul3A = arith.constant 0.000000e+00 : f32
    %mul3A_8 = vector.broadcast %mul3A : f32 to vector<8x4096xf32>
    %mul3A_9 = arith.mulf %get3A_1, %mul3A_8 : vector<8x4096xf32>
    %add3A = arith.addf %convert_element_type3A, %mul3A_9 : vector<8x4096xf32>
    %iota3A_10 = tpu.iota {dimensions = array<i32: 1>} : vector<8x1024xi32>
    %convert_element_type3A_11 = arith.sitofp %iota3A_10 : vector<8x1024xi32> to vector<8x1024xf32>
    %slice3A = vector.extract_strided_slice %get3A_1 {offsets = [0, 0], sizes = [8, 1024], strides = [1, 1]} : vector<8x4096xf32> to vector<8x1024xf32>
    %mul3A_12 = arith.constant 0.000000e+00 : f32
    %mul3A_13 = vector.broadcast %mul3A_12 : f32 to vector<8x1024xf32>
    %mul3A_14 = arith.mulf %slice3A, %mul3A_13 : vector<8x1024xf32>
    %add3A_15 = arith.addf %convert_element_type3A_11, %mul3A_14 : vector<8x1024xf32>
    %broadcast_in_dim3A = arith.constant 1.000000e+10 : f32
    %broadcast_in_dim3A_16 = vector.broadcast %broadcast_in_dim3A : f32 to vector<8x4096xf32>
    %broadcast_in_dim3A_17 = arith.constant 0.000000e+00 : f32
    %broadcast_in_dim3A_18 = vector.broadcast %broadcast_in_dim3A_17 : f32 to vector<8x1xf32>
    %broadcast_in_dim3A_19 = arith.constant 0.000000e+00 : f32
    %broadcast_in_dim3A_20 = vector.broadcast %broadcast_in_dim3A_19 : f32 to vector<8x1024xf32>
    %broadcast_in_dim3A_21 = arith.constant 0.000000e+00 : f32
    %broadcast_in_dim3A_22 = vector.broadcast %broadcast_in_dim3A_21 : f32 to vector<8x1024xf32>
    %scan3A = arith.constant 0 : i32
    %scan3A_23 = arith.constant 1024 : i32
    %scan3A_24 = arith.addi %scan3A, %scan3A_23 : i32
    %scan3A_25 = arith.constant 1 : i32
    %scan3A_26:6 = scf.for %scan3A_40 = %scan3A to %scan3A_24 step %scan3A_25 iter_args(%scan3A_41 = %broadcast_in_dim3A_16, %scan3A_42 = %broadcast_in_dim3A_18, %scan3A_43 = %broadcast_in_dim3A_20, %scan3A_44 = %broadcast_in_dim3A_22, %scan3A_45 = %broadcast_in_dim3A_22, %scan3A_46 = %broadcast_in_dim3A_22) -> (vector<8x4096xf32>, vector<8x1xf32>, vector<8x1024xf32>, vector<8x1024xf32>, vector<8x1024xf32>, vector<8x1024xf32>)  : i32 {
      %eq3A = vector.broadcast %scan3A_42 : vector<8x1xf32> to vector<8x4096xf32>
      %eq3A_47 = arith.cmpf oeq, %add3A, %eq3A : vector<8x4096xf32>
      %jit3A = arith.constant 0.000000e+00 : f32
      %broadcast_in_dim3A_48 = vector.broadcast %jit3A : f32 to vector<8x4096xf32>
      %select_n3A = arith.select %eq3A_47, %get3A_1, %broadcast_in_dim3A_48 : vector<8x4096xi1>, vector<8x4096xf32>
      %reduce_sum3A = arith.constant dense<0.000000e+00> : vector<8xf32>
      %reduce_sum3A_49 = vector.multi_reduction <add>, %select_n3A, %reduce_sum3A [1] : vector<8x4096xf32> to vector<8xf32>
      %broadcast_in_dim3A_50 = vector.shape_cast %reduce_sum3A_49 : vector<8xf32> to vector<8x1xf32>
      %jit3A_51 = arith.constant 0.000000e+00 : f32
      %broadcast_in_dim3A_52 = vector.broadcast %jit3A_51 : f32 to vector<8x4096xf32>
      %select_n3A_53 = arith.select %eq3A_47, %get3A_4, %broadcast_in_dim3A_52 : vector<8x4096xi1>, vector<8x4096xf32>
      %reduce_sum3A_54 = arith.constant dense<0.000000e+00> : vector<8xf32>
      %reduce_sum3A_55 = vector.multi_reduction <add>, %select_n3A_53, %reduce_sum3A_54 [1] : vector<8x4096xf32> to vector<8xf32>
      %broadcast_in_dim3A_56 = vector.shape_cast %reduce_sum3A_55 : vector<8xf32> to vector<8x1xf32>
      %jit3A_57 = arith.constant 0.000000e+00 : f32
      %broadcast_in_dim3A_58 = vector.broadcast %jit3A_57 : f32 to vector<8x4096xf32>
      %select_n3A_59 = arith.select %eq3A_47, %get3A_7, %broadcast_in_dim3A_58 : vector<8x4096xi1>, vector<8x4096xf32>
      %reduce_sum3A_60 = arith.constant dense<0.000000e+00> : vector<8xf32>
      %reduce_sum3A_61 = vector.multi_reduction <add>, %select_n3A_59, %reduce_sum3A_60 [1] : vector<8x4096xf32> to vector<8xf32>
      %broadcast_in_dim3A_62 = vector.shape_cast %reduce_sum3A_61 : vector<8xf32> to vector<8x1xf32>
      %sub3A = vector.broadcast %broadcast_in_dim3A_50 : vector<8x1xf32> to vector<8x4096xf32>
      %sub3A_63 = arith.subf %get3A_1, %sub3A : vector<8x4096xf32>
      %sub3A_64 = vector.broadcast %broadcast_in_dim3A_56 : vector<8x1xf32> to vector<8x4096xf32>
      %sub3A_65 = arith.subf %get3A_4, %sub3A_64 : vector<8x4096xf32>
      %sub3A_66 = vector.broadcast %broadcast_in_dim3A_62 : vector<8x1xf32> to vector<8x4096xf32>
      %sub3A_67 = arith.subf %get3A_7, %sub3A_66 : vector<8x4096xf32>
      %mul3A_68 = arith.mulf %sub3A_63, %sub3A_63 : vector<8x4096xf32>
      %mul3A_69 = arith.mulf %sub3A_65, %sub3A_65 : vector<8x4096xf32>
      %add3A_70 = arith.addf %mul3A_68, %mul3A_69 : vector<8x4096xf32>
      %mul3A_71 = arith.mulf %sub3A_67, %sub3A_67 : vector<8x4096xf32>
      %add3A_72 = arith.addf %add3A_70, %mul3A_71 : vector<8x4096xf32>
      %min3A = arith.minimumf %scan3A_41, %add3A_72 : vector<8x4096xf32>
      %convert_element_type3A_73 = arith.sitofp %scan3A_40 : i32 to f32
      %eq3A_74 = vector.broadcast %convert_element_type3A_73 : f32 to vector<8x1024xf32>
      %eq3A_75 = arith.cmpf oeq, %add3A_15, %eq3A_74 : vector<8x1024xf32>
      %convert_element_type3A_76 = arith.extui %eq3A_75 : vector<8x1024xi1> to vector<8x1024xi32>
      %convert_element_type3A_77 = arith.sitofp %convert_element_type3A_76 : vector<8x1024xi32> to vector<8x1024xf32>
      %mul3A_78 = vector.broadcast %scan3A_42 : vector<8x1xf32> to vector<8x1024xf32>
      %mul3A_79 = arith.mulf %mul3A_78, %convert_element_type3A_77 : vector<8x1024xf32>
      %add3A_80 = arith.addf %scan3A_43, %mul3A_79 : vector<8x1024xf32>
      %mul3A_81 = vector.broadcast %broadcast_in_dim3A_50 : vector<8x1xf32> to vector<8x1024xf32>
      %mul3A_82 = arith.mulf %mul3A_81, %convert_element_type3A_77 : vector<8x1024xf32>
      %add3A_83 = arith.addf %scan3A_44, %mul3A_82 : vector<8x1024xf32>
      %mul3A_84 = vector.broadcast %broadcast_in_dim3A_56 : vector<8x1xf32> to vector<8x1024xf32>
      %mul3A_85 = arith.mulf %mul3A_84, %convert_element_type3A_77 : vector<8x1024xf32>
      %add3A_86 = arith.addf %scan3A_45, %mul3A_85 : vector<8x1024xf32>
      %mul3A_87 = vector.broadcast %broadcast_in_dim3A_62 : vector<8x1xf32> to vector<8x1024xf32>
      %mul3A_88 = arith.mulf %mul3A_87, %convert_element_type3A_77 : vector<8x1024xf32>
      %add3A_89 = arith.addf %scan3A_46, %mul3A_88 : vector<8x1024xf32>
      %reduce_max3A = arith.constant dense<0xFF800000> : vector<8xf32>
      %reduce_max3A_90 = vector.multi_reduction <maximumf>, %min3A, %reduce_max3A [1] : vector<8x4096xf32> to vector<8xf32>
      %broadcast_in_dim3A_91 = vector.shape_cast %reduce_max3A_90 : vector<8xf32> to vector<8x1xf32>
      %eq3A_92 = vector.broadcast %broadcast_in_dim3A_91 : vector<8x1xf32> to vector<8x4096xf32>
      %eq3A_93 = arith.cmpf oeq, %min3A, %eq3A_92 : vector<8x4096xf32>
      %jit3A_94 = arith.constant 4.096000e+03 : f32
      %broadcast_in_dim3A_95 = vector.broadcast %jit3A_94 : f32 to vector<8x4096xf32>
      %select_n3A_96 = arith.select %eq3A_93, %add3A, %broadcast_in_dim3A_95 : vector<8x4096xi1>, vector<8x4096xf32>
      %reduce_min3A = arith.constant dense<0x7F800000> : vector<8xf32>
      %reduce_min3A_97 = vector.multi_reduction <minimumf>, %select_n3A_96, %reduce_min3A [1] : vector<8x4096xf32> to vector<8xf32>
      %broadcast_in_dim3A_98 = vector.shape_cast %reduce_min3A_97 : vector<8xf32> to vector<8x1xf32>
      scf.yield %min3A, %broadcast_in_dim3A_98, %add3A_80, %add3A_83, %add3A_86, %add3A_89 : vector<8x4096xf32>, vector<8x1xf32>, vector<8x1024xf32>, vector<8x1024xf32>, vector<8x1024xf32>, vector<8x1024xf32>
    }
    %scan3A_27 = arith.constant 1024 : i32
    %convert_element_type3A_28 = arith.fptosi %scan3A_26#2 : vector<8x1024xf32> to vector<8x1024xi32>
    %swap3A = arith.constant 0 : index
    %swap3A_29 = arith.constant 0 : index
    %swap3A_30 = vector.load %arg3[%swap3A, %swap3A_29] : memref<8x1024xi32, #tpu.memory_space<vmem>>, vector<8x1024xi32>
    tpu.vector_store %arg3[%swap3A, %swap3A_29], %convert_element_type3A_28 {strides = array<i32>} : memref<8x1024xi32, #tpu.memory_space<vmem>>, vector<8x1024xi32>,
    %swap3A_31 = arith.constant 0 : index
    %swap3A_32 = arith.constant 0 : index
    %swap3A_33 = vector.load %arg4[%swap3A_31, %swap3A_32] : memref<8x1024xf32, #tpu.memory_space<vmem>>, vector<8x1024xf32>
    tpu.vector_store %arg4[%swap3A_31, %swap3A_32], %scan3A_26#3 {strides = array<i32>} : memref<8x1024xf32, #tpu.memory_space<vmem>>, vector<8x1024xf32>,
    %swap3A_34 = arith.constant 0 : index
    %swap3A_35 = arith.constant 0 : index
    %swap3A_36 = vector.load %arg5[%swap3A_34, %swap3A_35] : memref<8x1024xf32, #tpu.memory_space<vmem>>, vector<8x1024xf32>
    tpu.vector_store %arg5[%swap3A_34, %swap3A_35], %scan3A_26#4 {strides = array<i32>} : memref<8x1024xf32, #tpu.memory_space<vmem>>, vector<8x1024xf32>,
    %swap3A_37 = arith.constant 0 : index
    %swap3A_38 = arith.constant 0 : index
    %swap3A_39 = vector.load %arg6[%swap3A_37, %swap3A_38] : memref<8x1024xf32, #tpu.memory_space<vmem>>, vector<8x1024xf32>
    tpu.vector_store %arg6[%swap3A_37, %swap3A_38], %scan3A_26#5 {strides = array<i32>} : memref<8x1024xf32, #tpu.memory_space<vmem>>, vector<8x1024xf32>,
    return
  }
}

module attributes {stable_mosaic.version = 14 : i64} {
  func.func @_knn_body(%arg0: i32, %arg1: i32, %arg2: memref<1x256x1xf32, #tpu.memory_space<vmem>>, %arg3: memref<1x256x1xf32, #tpu.memory_space<vmem>>, %arg4: memref<1x256x1xf32, #tpu.memory_space<vmem>>, %arg5: memref<1x1x4096xf32, #tpu.memory_space<vmem>>, %arg6: memref<1x1x4096xf32, #tpu.memory_space<vmem>>, %arg7: memref<1x1x4096xf32, #tpu.memory_space<vmem>>, %arg8: memref<1x256x16xi32, #tpu.memory_space<vmem>>) attributes {dimension_semantics = [#tpu.dimension_semantics<arbitrary>, #tpu.dimension_semantics<arbitrary>], iteration_bounds = array<i64: 4, 4>, scalar_prefetch = 0 : i64, scratch_operands = 0 : i64, tpu.core_type = #tpu.core_type<tc>, window_params = [{transform_indices = @transform_0, window_bounds = array<i64: 1, 256, 1>}, {transform_indices = @transform_1, window_bounds = array<i64: 1, 256, 1>}, {transform_indices = @transform_2, window_bounds = array<i64: 1, 256, 1>}, {transform_indices = @transform_3, window_bounds = array<i64: 1, 1, 4096>}, {transform_indices = @transform_4, window_bounds = array<i64: 1, 1, 4096>}, {transform_indices = @transform_5, window_bounds = array<i64: 1, 1, 4096>}, {transform_indices = @transform_6, window_bounds = array<i64: 1, 256, 16>}]} {
    %add3A = arith.constant 4 : i32
    %add3A_0 = arith.addi %arg0, %add3A : i32
    %get3A = arith.constant 0 : index
    %get3A_1 = arith.constant 0 : index
    %get3A_2 = arith.constant 0 : index
    %get3A_3 = vector.load %arg2[%get3A, %get3A_1, %get3A_2] : memref<1x256x1xf32, #tpu.memory_space<vmem>>, vector<1x256x1xf32>
    %get3A_4 = vector.shape_cast %get3A_3 : vector<1x256x1xf32> to vector<256x1xf32>
    %get3A_5 = arith.constant 0 : index
    %get3A_6 = arith.constant 0 : index
    %get3A_7 = arith.constant 0 : index
    %get3A_8 = vector.load %arg3[%get3A_5, %get3A_6, %get3A_7] : memref<1x256x1xf32, #tpu.memory_space<vmem>>, vector<1x256x1xf32>
    %get3A_9 = vector.shape_cast %get3A_8 : vector<1x256x1xf32> to vector<256x1xf32>
    %get3A_10 = arith.constant 0 : index
    %get3A_11 = arith.constant 0 : index
    %get3A_12 = arith.constant 0 : index
    %get3A_13 = vector.load %arg4[%get3A_10, %get3A_11, %get3A_12] : memref<1x256x1xf32, #tpu.memory_space<vmem>>, vector<1x256x1xf32>
    %get3A_14 = vector.shape_cast %get3A_13 : vector<1x256x1xf32> to vector<256x1xf32>
    %get3A_15 = arith.constant 0 : index
    %get3A_16 = arith.constant 0 : index
    %get3A_17 = arith.constant 0 : index
    %get3A_18 = vector.load %arg5[%get3A_15, %get3A_16, %get3A_17] : memref<1x1x4096xf32, #tpu.memory_space<vmem>>, vector<1x1x4096xf32>
    %get3A_19 = vector.shape_cast %get3A_18 : vector<1x1x4096xf32> to vector<1x4096xf32>
    %get3A_20 = arith.constant 0 : index
    %get3A_21 = arith.constant 0 : index
    %get3A_22 = arith.constant 0 : index
    %get3A_23 = vector.load %arg6[%get3A_20, %get3A_21, %get3A_22] : memref<1x1x4096xf32, #tpu.memory_space<vmem>>, vector<1x1x4096xf32>
    %get3A_24 = vector.shape_cast %get3A_23 : vector<1x1x4096xf32> to vector<1x4096xf32>
    %get3A_25 = arith.constant 0 : index
    %get3A_26 = arith.constant 0 : index
    %get3A_27 = arith.constant 0 : index
    %get3A_28 = vector.load %arg7[%get3A_25, %get3A_26, %get3A_27] : memref<1x1x4096xf32, #tpu.memory_space<vmem>>, vector<1x1x4096xf32>
    %get3A_29 = vector.shape_cast %get3A_28 : vector<1x1x4096xf32> to vector<1x4096xf32>
    %convert_element_type3A = arith.truncf %get3A_4 : vector<256x1xf32> to vector<256x1xbf16>
    %convert_element_type3A_30 = arith.extf %convert_element_type3A : vector<256x1xbf16> to vector<256x1xf32>
    %convert_element_type3A_31 = arith.truncf %get3A_19 : vector<1x4096xf32> to vector<1x4096xbf16>
    %convert_element_type3A_32 = arith.extf %convert_element_type3A_31 : vector<1x4096xbf16> to vector<1x4096xf32>
    %mul3A = vector.broadcast %convert_element_type3A_30 : vector<256x1xf32> to vector<256x4096xf32>
    %mul3A_33 = vector.broadcast %convert_element_type3A_32 : vector<1x4096xf32> to vector<256x4096xf32>
    %mul3A_34 = arith.mulf %mul3A, %mul3A_33 : vector<256x4096xf32>
    %convert_element_type3A_35 = arith.truncf %get3A_9 : vector<256x1xf32> to vector<256x1xbf16>
    %convert_element_type3A_36 = arith.extf %convert_element_type3A_35 : vector<256x1xbf16> to vector<256x1xf32>
    %convert_element_type3A_37 = arith.truncf %get3A_24 : vector<1x4096xf32> to vector<1x4096xbf16>
    %convert_element_type3A_38 = arith.extf %convert_element_type3A_37 : vector<1x4096xbf16> to vector<1x4096xf32>
    %mul3A_39 = vector.broadcast %convert_element_type3A_36 : vector<256x1xf32> to vector<256x4096xf32>
    %mul3A_40 = vector.broadcast %convert_element_type3A_38 : vector<1x4096xf32> to vector<256x4096xf32>
    %mul3A_41 = arith.mulf %mul3A_39, %mul3A_40 : vector<256x4096xf32>
    %add3A_42 = arith.addf %mul3A_34, %mul3A_41 : vector<256x4096xf32>
    %convert_element_type3A_43 = arith.truncf %get3A_14 : vector<256x1xf32> to vector<256x1xbf16>
    %convert_element_type3A_44 = arith.extf %convert_element_type3A_43 : vector<256x1xbf16> to vector<256x1xf32>
    %convert_element_type3A_45 = arith.truncf %get3A_29 : vector<1x4096xf32> to vector<1x4096xbf16>
    %convert_element_type3A_46 = arith.extf %convert_element_type3A_45 : vector<1x4096xbf16> to vector<1x4096xf32>
    %mul3A_47 = vector.broadcast %convert_element_type3A_44 : vector<256x1xf32> to vector<256x4096xf32>
    %mul3A_48 = vector.broadcast %convert_element_type3A_46 : vector<1x4096xf32> to vector<256x4096xf32>
    %mul3A_49 = arith.mulf %mul3A_47, %mul3A_48 : vector<256x4096xf32>
    %add3A_50 = arith.addf %add3A_42, %mul3A_49 : vector<256x4096xf32>
    %mul3A_51 = arith.mulf %get3A_4, %get3A_4 : vector<256x1xf32>
    %mul3A_52 = arith.mulf %get3A_9, %get3A_9 : vector<256x1xf32>
    %add3A_53 = arith.addf %mul3A_51, %mul3A_52 : vector<256x1xf32>
    %mul3A_54 = arith.mulf %get3A_14, %get3A_14 : vector<256x1xf32>
    %add3A_55 = arith.addf %add3A_53, %mul3A_54 : vector<256x1xf32>
    %mul3A_56 = arith.mulf %get3A_19, %get3A_19 : vector<1x4096xf32>
    %mul3A_57 = arith.mulf %get3A_24, %get3A_24 : vector<1x4096xf32>
    %add3A_58 = arith.addf %mul3A_56, %mul3A_57 : vector<1x4096xf32>
    %mul3A_59 = arith.mulf %get3A_29, %get3A_29 : vector<1x4096xf32>
    %add3A_60 = arith.addf %add3A_58, %mul3A_59 : vector<1x4096xf32>
    %add3A_61 = vector.broadcast %add3A_55 : vector<256x1xf32> to vector<256x4096xf32>
    %add3A_62 = vector.broadcast %add3A_60 : vector<1x4096xf32> to vector<256x4096xf32>
    %add3A_63 = arith.addf %add3A_61, %add3A_62 : vector<256x4096xf32>
    %mul3A_64 = arith.constant 2.000000e+00 : f32
    %mul3A_65 = vector.broadcast %mul3A_64 : f32 to vector<256x4096xf32>
    %mul3A_66 = arith.mulf %mul3A_65, %add3A_50 : vector<256x4096xf32>
    %sub3A = arith.subf %add3A_63, %mul3A_66 : vector<256x4096xf32>
    %iota3A = tpu.iota {dimensions = array<i32: 1>} : vector<256x4096xi32>
    %convert_element_type3A_67 = arith.sitofp %iota3A : vector<256x4096xi32> to vector<256x4096xf32>
    %mul3A_68 = arith.constant 0.000000e+00 : f32
    %mul3A_69 = vector.broadcast %mul3A_68 : f32 to vector<256x4096xf32>
    %mul3A_70 = arith.mulf %sub3A, %mul3A_69 : vector<256x4096xf32>
    %add3A_71 = arith.addf %convert_element_type3A_67, %mul3A_70 : vector<256x4096xf32>
    %iota3A_72 = tpu.iota {dimensions = array<i32: 1>} : vector<256x16xi32>
    %convert_element_type3A_73 = arith.sitofp %iota3A_72 : vector<256x16xi32> to vector<256x16xf32>
    %slice3A = vector.extract_strided_slice %sub3A {offsets = [0, 0], sizes = [256, 16], strides = [1, 1]} : vector<256x4096xf32> to vector<256x16xf32>
    %mul3A_74 = arith.constant 0.000000e+00 : f32
    %mul3A_75 = vector.broadcast %mul3A_74 : f32 to vector<256x16xf32>
    %mul3A_76 = arith.mulf %slice3A, %mul3A_75 : vector<256x16xf32>
    %add3A_77 = arith.addf %convert_element_type3A_73, %mul3A_76 : vector<256x16xf32>
    %broadcast_in_dim3A = arith.constant 0.000000e+00 : f32
    %broadcast_in_dim3A_78 = vector.broadcast %broadcast_in_dim3A : f32 to vector<256x16xf32>
    %scan3A = arith.constant 0 : i32
    %scan3A_79 = arith.constant 16 : i32
    %scan3A_80 = arith.addi %scan3A, %scan3A_79 : i32
    %scan3A_81 = arith.constant 1 : i32
    %scan3A_82:2 = scf.for %scan3A_94 = %scan3A to %scan3A_80 step %scan3A_81 iter_args(%scan3A_95 = %sub3A, %scan3A_96 = %broadcast_in_dim3A_78) -> (vector<256x4096xf32>, vector<256x16xf32>)  : i32 {
      %reduce_min3A = arith.constant dense<0x7F800000> : vector<256xf32>
      %reduce_min3A_97 = vector.multi_reduction <minimumf>, %scan3A_95, %reduce_min3A [1] : vector<256x4096xf32> to vector<256xf32>
      %broadcast_in_dim3A_98 = vector.shape_cast %reduce_min3A_97 : vector<256xf32> to vector<256x1xf32>
      %eq3A = vector.broadcast %broadcast_in_dim3A_98 : vector<256x1xf32> to vector<256x4096xf32>
      %eq3A_99 = arith.cmpf oeq, %scan3A_95, %eq3A : vector<256x4096xf32>
      %jit3A = arith.constant 4.096000e+03 : f32
      %broadcast_in_dim3A_100 = vector.broadcast %jit3A : f32 to vector<256x4096xf32>
      %select_n3A = arith.select %eq3A_99, %add3A_71, %broadcast_in_dim3A_100 : vector<256x4096xi1>, vector<256x4096xf32>
      %reduce_min3A_101 = arith.constant dense<0x7F800000> : vector<256xf32>
      %reduce_min3A_102 = vector.multi_reduction <minimumf>, %select_n3A, %reduce_min3A_101 [1] : vector<256x4096xf32> to vector<256xf32>
      %broadcast_in_dim3A_103 = vector.shape_cast %reduce_min3A_102 : vector<256xf32> to vector<256x1xf32>
      %convert_element_type3A_104 = arith.sitofp %scan3A_94 : i32 to f32
      %eq3A_105 = vector.broadcast %convert_element_type3A_104 : f32 to vector<256x16xf32>
      %eq3A_106 = arith.cmpf oeq, %add3A_77, %eq3A_105 : vector<256x16xf32>
      %convert_element_type3A_107 = arith.extui %eq3A_106 : vector<256x16xi1> to vector<256x16xi32>
      %convert_element_type3A_108 = arith.sitofp %convert_element_type3A_107 : vector<256x16xi32> to vector<256x16xf32>
      %mul3A_109 = vector.broadcast %broadcast_in_dim3A_103 : vector<256x1xf32> to vector<256x16xf32>
      %mul3A_110 = arith.mulf %mul3A_109, %convert_element_type3A_108 : vector<256x16xf32>
      %add3A_111 = arith.addf %scan3A_96, %mul3A_110 : vector<256x16xf32>
      %eq3A_112 = vector.broadcast %broadcast_in_dim3A_103 : vector<256x1xf32> to vector<256x4096xf32>
      %eq3A_113 = arith.cmpf oeq, %add3A_71, %eq3A_112 : vector<256x4096xf32>
      %convert_element_type3A_114 = arith.extui %eq3A_113 : vector<256x4096xi1> to vector<256x4096xi32>
      %convert_element_type3A_115 = arith.sitofp %convert_element_type3A_114 : vector<256x4096xi32> to vector<256x4096xf32>
      %mul3A_116 = arith.constant 1.000000e+30 : f32
      %mul3A_117 = vector.broadcast %mul3A_116 : f32 to vector<256x4096xf32>
      %mul3A_118 = arith.mulf %convert_element_type3A_115, %mul3A_117 : vector<256x4096xf32>
      %add3A_119 = arith.addf %scan3A_95, %mul3A_118 : vector<256x4096xf32>
      scf.yield %add3A_119, %add3A_111 : vector<256x4096xf32>, vector<256x16xf32>
    }
    %scan3A_83 = arith.constant 16 : i32
    %convert_element_type3A_84 = arith.fptosi %scan3A_82#1 : vector<256x16xf32> to vector<256x16xi32>
    %mul3A_85 = arith.constant 4096 : i32
    %mul3A_86 = arith.muli %add3A_0, %mul3A_85 : i32
    %add3A_87 = vector.broadcast %mul3A_86 : i32 to vector<256x16xi32>
    %add3A_88 = arith.addi %convert_element_type3A_84, %add3A_87 : vector<256x16xi32>
    %swap3A = arith.constant 0 : index
    %swap3A_89 = arith.constant 0 : index
    %swap3A_90 = arith.constant 0 : index
    %swap3A_91 = vector.load %arg8[%swap3A, %swap3A_89, %swap3A_90] : memref<1x256x16xi32, #tpu.memory_space<vmem>>, vector<1x256x16xi32>
    %swap3A_92 = vector.shape_cast %swap3A_91 : vector<1x256x16xi32> to vector<256x16xi32>
    %swap3A_93 = vector.shape_cast %add3A_88 : vector<256x16xi32> to vector<1x256x16xi32>
    tpu.vector_store %arg8[%swap3A, %swap3A_89, %swap3A_90], %swap3A_93 {strides = array<i32>} : memref<1x256x16xi32, #tpu.memory_space<vmem>>, vector<1x256x16xi32>,
    return
  }
  func.func @transform_0(%arg0: i32, %arg1: i32) -> (i32, i32, i32) {
    %add3A = arith.constant 4 : i32
    %add3A_0 = arith.addi %arg0, %add3A : i32
    %c0_i32 = arith.constant 0 : i32
    %c0_i32_1 = arith.constant 0 : i32
    return %add3A_0, %arg1, %c0_i32 : i32, i32, i32
  }
  func.func @transform_1(%arg0: i32, %arg1: i32) -> (i32, i32, i32) {
    %add3A = arith.constant 4 : i32
    %add3A_0 = arith.addi %arg0, %add3A : i32
    %c0_i32 = arith.constant 0 : i32
    %c0_i32_1 = arith.constant 0 : i32
    return %add3A_0, %arg1, %c0_i32 : i32, i32, i32
  }
  func.func @transform_2(%arg0: i32, %arg1: i32) -> (i32, i32, i32) {
    %add3A = arith.constant 4 : i32
    %add3A_0 = arith.addi %arg0, %add3A : i32
    %c0_i32 = arith.constant 0 : i32
    %c0_i32_1 = arith.constant 0 : i32
    return %add3A_0, %arg1, %c0_i32 : i32, i32, i32
  }
  func.func @transform_3(%arg0: i32, %arg1: i32) -> (i32, i32, i32) {
    %add3A = arith.constant 4 : i32
    %add3A_0 = arith.addi %arg0, %add3A : i32
    %c0_i32 = arith.constant 0 : i32
    %c0_i32_1 = arith.constant 0 : i32
    %c0_i32_2 = arith.constant 0 : i32
    return %add3A_0, %c0_i32, %c0_i32_1 : i32, i32, i32
  }
  func.func @transform_4(%arg0: i32, %arg1: i32) -> (i32, i32, i32) {
    %add3A = arith.constant 4 : i32
    %add3A_0 = arith.addi %arg0, %add3A : i32
    %c0_i32 = arith.constant 0 : i32
    %c0_i32_1 = arith.constant 0 : i32
    %c0_i32_2 = arith.constant 0 : i32
    return %add3A_0, %c0_i32, %c0_i32_1 : i32, i32, i32
  }
  func.func @transform_5(%arg0: i32, %arg1: i32) -> (i32, i32, i32) {
    %add3A = arith.constant 4 : i32
    %add3A_0 = arith.addi %arg0, %add3A : i32
    %c0_i32 = arith.constant 0 : i32
    %c0_i32_1 = arith.constant 0 : i32
    %c0_i32_2 = arith.constant 0 : i32
    return %add3A_0, %c0_i32, %c0_i32_1 : i32, i32, i32
  }
  func.func @transform_6(%arg0: i32, %arg1: i32) -> (i32, i32, i32) {
    %c0_i32 = arith.constant 0 : i32
    %c0_i32_0 = arith.constant 0 : i32
    return %arg0, %arg1, %c0_i32 : i32, i32, i32
  }
}

module attributes {stable_mosaic.version = 14 : i64} {
  func.func @_knn_body(%arg0: i32, %arg1: i32, %arg2: memref<1x256x1xf32, #tpu.memory_space<vmem>>, %arg3: memref<1x256x1xf32, #tpu.memory_space<vmem>>, %arg4: memref<1x256x1xf32, #tpu.memory_space<vmem>>, %arg5: memref<1x1x4096xf32, #tpu.memory_space<vmem>>, %arg6: memref<1x1x4096xf32, #tpu.memory_space<vmem>>, %arg7: memref<1x1x4096xf32, #tpu.memory_space<vmem>>, %arg8: memref<1x256x16xi32, #tpu.memory_space<vmem>>) attributes {dimension_semantics = [#tpu.dimension_semantics<arbitrary>, #tpu.dimension_semantics<arbitrary>], iteration_bounds = array<i64: 4, 4>, scalar_prefetch = 0 : i64, scratch_operands = 0 : i64, tpu.core_type = #tpu.core_type<tc>, window_params = [{transform_indices = @transform_0, window_bounds = array<i64: 1, 256, 1>}, {transform_indices = @transform_1, window_bounds = array<i64: 1, 256, 1>}, {transform_indices = @transform_2, window_bounds = array<i64: 1, 256, 1>}, {transform_indices = @transform_3, window_bounds = array<i64: 1, 1, 4096>}, {transform_indices = @transform_4, window_bounds = array<i64: 1, 1, 4096>}, {transform_indices = @transform_5, window_bounds = array<i64: 1, 1, 4096>}, {transform_indices = @transform_6, window_bounds = array<i64: 1, 256, 16>}]} {
    %add3A = arith.constant 0 : i32
    %add3A_0 = arith.addi %arg0, %add3A : i32
    %get3A = arith.constant 0 : index
    %get3A_1 = arith.constant 0 : index
    %get3A_2 = arith.constant 0 : index
    %get3A_3 = vector.load %arg2[%get3A, %get3A_1, %get3A_2] : memref<1x256x1xf32, #tpu.memory_space<vmem>>, vector<1x256x1xf32>
    %get3A_4 = vector.shape_cast %get3A_3 : vector<1x256x1xf32> to vector<256x1xf32>
    %get3A_5 = arith.constant 0 : index
    %get3A_6 = arith.constant 0 : index
    %get3A_7 = arith.constant 0 : index
    %get3A_8 = vector.load %arg3[%get3A_5, %get3A_6, %get3A_7] : memref<1x256x1xf32, #tpu.memory_space<vmem>>, vector<1x256x1xf32>
    %get3A_9 = vector.shape_cast %get3A_8 : vector<1x256x1xf32> to vector<256x1xf32>
    %get3A_10 = arith.constant 0 : index
    %get3A_11 = arith.constant 0 : index
    %get3A_12 = arith.constant 0 : index
    %get3A_13 = vector.load %arg4[%get3A_10, %get3A_11, %get3A_12] : memref<1x256x1xf32, #tpu.memory_space<vmem>>, vector<1x256x1xf32>
    %get3A_14 = vector.shape_cast %get3A_13 : vector<1x256x1xf32> to vector<256x1xf32>
    %get3A_15 = arith.constant 0 : index
    %get3A_16 = arith.constant 0 : index
    %get3A_17 = arith.constant 0 : index
    %get3A_18 = vector.load %arg5[%get3A_15, %get3A_16, %get3A_17] : memref<1x1x4096xf32, #tpu.memory_space<vmem>>, vector<1x1x4096xf32>
    %get3A_19 = vector.shape_cast %get3A_18 : vector<1x1x4096xf32> to vector<1x4096xf32>
    %get3A_20 = arith.constant 0 : index
    %get3A_21 = arith.constant 0 : index
    %get3A_22 = arith.constant 0 : index
    %get3A_23 = vector.load %arg6[%get3A_20, %get3A_21, %get3A_22] : memref<1x1x4096xf32, #tpu.memory_space<vmem>>, vector<1x1x4096xf32>
    %get3A_24 = vector.shape_cast %get3A_23 : vector<1x1x4096xf32> to vector<1x4096xf32>
    %get3A_25 = arith.constant 0 : index
    %get3A_26 = arith.constant 0 : index
    %get3A_27 = arith.constant 0 : index
    %get3A_28 = vector.load %arg7[%get3A_25, %get3A_26, %get3A_27] : memref<1x1x4096xf32, #tpu.memory_space<vmem>>, vector<1x1x4096xf32>
    %get3A_29 = vector.shape_cast %get3A_28 : vector<1x1x4096xf32> to vector<1x4096xf32>
    %convert_element_type3A = arith.truncf %get3A_4 : vector<256x1xf32> to vector<256x1xbf16>
    %convert_element_type3A_30 = arith.extf %convert_element_type3A : vector<256x1xbf16> to vector<256x1xf32>
    %convert_element_type3A_31 = arith.truncf %get3A_19 : vector<1x4096xf32> to vector<1x4096xbf16>
    %convert_element_type3A_32 = arith.extf %convert_element_type3A_31 : vector<1x4096xbf16> to vector<1x4096xf32>
    %mul3A = vector.broadcast %convert_element_type3A_30 : vector<256x1xf32> to vector<256x4096xf32>
    %mul3A_33 = vector.broadcast %convert_element_type3A_32 : vector<1x4096xf32> to vector<256x4096xf32>
    %mul3A_34 = arith.mulf %mul3A, %mul3A_33 : vector<256x4096xf32>
    %convert_element_type3A_35 = arith.truncf %get3A_9 : vector<256x1xf32> to vector<256x1xbf16>
    %convert_element_type3A_36 = arith.extf %convert_element_type3A_35 : vector<256x1xbf16> to vector<256x1xf32>
    %convert_element_type3A_37 = arith.truncf %get3A_24 : vector<1x4096xf32> to vector<1x4096xbf16>
    %convert_element_type3A_38 = arith.extf %convert_element_type3A_37 : vector<1x4096xbf16> to vector<1x4096xf32>
    %mul3A_39 = vector.broadcast %convert_element_type3A_36 : vector<256x1xf32> to vector<256x4096xf32>
    %mul3A_40 = vector.broadcast %convert_element_type3A_38 : vector<1x4096xf32> to vector<256x4096xf32>
    %mul3A_41 = arith.mulf %mul3A_39, %mul3A_40 : vector<256x4096xf32>
    %add3A_42 = arith.addf %mul3A_34, %mul3A_41 : vector<256x4096xf32>
    %convert_element_type3A_43 = arith.truncf %get3A_14 : vector<256x1xf32> to vector<256x1xbf16>
    %convert_element_type3A_44 = arith.extf %convert_element_type3A_43 : vector<256x1xbf16> to vector<256x1xf32>
    %convert_element_type3A_45 = arith.truncf %get3A_29 : vector<1x4096xf32> to vector<1x4096xbf16>
    %convert_element_type3A_46 = arith.extf %convert_element_type3A_45 : vector<1x4096xbf16> to vector<1x4096xf32>
    %mul3A_47 = vector.broadcast %convert_element_type3A_44 : vector<256x1xf32> to vector<256x4096xf32>
    %mul3A_48 = vector.broadcast %convert_element_type3A_46 : vector<1x4096xf32> to vector<256x4096xf32>
    %mul3A_49 = arith.mulf %mul3A_47, %mul3A_48 : vector<256x4096xf32>
    %add3A_50 = arith.addf %add3A_42, %mul3A_49 : vector<256x4096xf32>
    %mul3A_51 = arith.mulf %get3A_4, %get3A_4 : vector<256x1xf32>
    %mul3A_52 = arith.mulf %get3A_9, %get3A_9 : vector<256x1xf32>
    %add3A_53 = arith.addf %mul3A_51, %mul3A_52 : vector<256x1xf32>
    %mul3A_54 = arith.mulf %get3A_14, %get3A_14 : vector<256x1xf32>
    %add3A_55 = arith.addf %add3A_53, %mul3A_54 : vector<256x1xf32>
    %mul3A_56 = arith.mulf %get3A_19, %get3A_19 : vector<1x4096xf32>
    %mul3A_57 = arith.mulf %get3A_24, %get3A_24 : vector<1x4096xf32>
    %add3A_58 = arith.addf %mul3A_56, %mul3A_57 : vector<1x4096xf32>
    %mul3A_59 = arith.mulf %get3A_29, %get3A_29 : vector<1x4096xf32>
    %add3A_60 = arith.addf %add3A_58, %mul3A_59 : vector<1x4096xf32>
    %add3A_61 = vector.broadcast %add3A_55 : vector<256x1xf32> to vector<256x4096xf32>
    %add3A_62 = vector.broadcast %add3A_60 : vector<1x4096xf32> to vector<256x4096xf32>
    %add3A_63 = arith.addf %add3A_61, %add3A_62 : vector<256x4096xf32>
    %mul3A_64 = arith.constant 2.000000e+00 : f32
    %mul3A_65 = vector.broadcast %mul3A_64 : f32 to vector<256x4096xf32>
    %mul3A_66 = arith.mulf %mul3A_65, %add3A_50 : vector<256x4096xf32>
    %sub3A = arith.subf %add3A_63, %mul3A_66 : vector<256x4096xf32>
    %iota3A = tpu.iota {dimensions = array<i32: 1>} : vector<256x4096xi32>
    %convert_element_type3A_67 = arith.sitofp %iota3A : vector<256x4096xi32> to vector<256x4096xf32>
    %mul3A_68 = arith.constant 0.000000e+00 : f32
    %mul3A_69 = vector.broadcast %mul3A_68 : f32 to vector<256x4096xf32>
    %mul3A_70 = arith.mulf %sub3A, %mul3A_69 : vector<256x4096xf32>
    %add3A_71 = arith.addf %convert_element_type3A_67, %mul3A_70 : vector<256x4096xf32>
    %iota3A_72 = tpu.iota {dimensions = array<i32: 1>} : vector<256x16xi32>
    %convert_element_type3A_73 = arith.sitofp %iota3A_72 : vector<256x16xi32> to vector<256x16xf32>
    %slice3A = vector.extract_strided_slice %sub3A {offsets = [0, 0], sizes = [256, 16], strides = [1, 1]} : vector<256x4096xf32> to vector<256x16xf32>
    %mul3A_74 = arith.constant 0.000000e+00 : f32
    %mul3A_75 = vector.broadcast %mul3A_74 : f32 to vector<256x16xf32>
    %mul3A_76 = arith.mulf %slice3A, %mul3A_75 : vector<256x16xf32>
    %add3A_77 = arith.addf %convert_element_type3A_73, %mul3A_76 : vector<256x16xf32>
    %broadcast_in_dim3A = arith.constant 0.000000e+00 : f32
    %broadcast_in_dim3A_78 = vector.broadcast %broadcast_in_dim3A : f32 to vector<256x16xf32>
    %scan3A = arith.constant 0 : i32
    %scan3A_79 = arith.constant 16 : i32
    %scan3A_80 = arith.addi %scan3A, %scan3A_79 : i32
    %scan3A_81 = arith.constant 1 : i32
    %scan3A_82:2 = scf.for %scan3A_94 = %scan3A to %scan3A_80 step %scan3A_81 iter_args(%scan3A_95 = %sub3A, %scan3A_96 = %broadcast_in_dim3A_78) -> (vector<256x4096xf32>, vector<256x16xf32>)  : i32 {
      %reduce_min3A = arith.constant dense<0x7F800000> : vector<256xf32>
      %reduce_min3A_97 = vector.multi_reduction <minimumf>, %scan3A_95, %reduce_min3A [1] : vector<256x4096xf32> to vector<256xf32>
      %broadcast_in_dim3A_98 = vector.shape_cast %reduce_min3A_97 : vector<256xf32> to vector<256x1xf32>
      %eq3A = vector.broadcast %broadcast_in_dim3A_98 : vector<256x1xf32> to vector<256x4096xf32>
      %eq3A_99 = arith.cmpf oeq, %scan3A_95, %eq3A : vector<256x4096xf32>
      %jit3A = arith.constant 4.096000e+03 : f32
      %broadcast_in_dim3A_100 = vector.broadcast %jit3A : f32 to vector<256x4096xf32>
      %select_n3A = arith.select %eq3A_99, %add3A_71, %broadcast_in_dim3A_100 : vector<256x4096xi1>, vector<256x4096xf32>
      %reduce_min3A_101 = arith.constant dense<0x7F800000> : vector<256xf32>
      %reduce_min3A_102 = vector.multi_reduction <minimumf>, %select_n3A, %reduce_min3A_101 [1] : vector<256x4096xf32> to vector<256xf32>
      %broadcast_in_dim3A_103 = vector.shape_cast %reduce_min3A_102 : vector<256xf32> to vector<256x1xf32>
      %convert_element_type3A_104 = arith.sitofp %scan3A_94 : i32 to f32
      %eq3A_105 = vector.broadcast %convert_element_type3A_104 : f32 to vector<256x16xf32>
      %eq3A_106 = arith.cmpf oeq, %add3A_77, %eq3A_105 : vector<256x16xf32>
      %convert_element_type3A_107 = arith.extui %eq3A_106 : vector<256x16xi1> to vector<256x16xi32>
      %convert_element_type3A_108 = arith.sitofp %convert_element_type3A_107 : vector<256x16xi32> to vector<256x16xf32>
      %mul3A_109 = vector.broadcast %broadcast_in_dim3A_103 : vector<256x1xf32> to vector<256x16xf32>
      %mul3A_110 = arith.mulf %mul3A_109, %convert_element_type3A_108 : vector<256x16xf32>
      %add3A_111 = arith.addf %scan3A_96, %mul3A_110 : vector<256x16xf32>
      %eq3A_112 = vector.broadcast %broadcast_in_dim3A_103 : vector<256x1xf32> to vector<256x4096xf32>
      %eq3A_113 = arith.cmpf oeq, %add3A_71, %eq3A_112 : vector<256x4096xf32>
      %convert_element_type3A_114 = arith.extui %eq3A_113 : vector<256x4096xi1> to vector<256x4096xi32>
      %convert_element_type3A_115 = arith.sitofp %convert_element_type3A_114 : vector<256x4096xi32> to vector<256x4096xf32>
      %mul3A_116 = arith.constant 1.000000e+30 : f32
      %mul3A_117 = vector.broadcast %mul3A_116 : f32 to vector<256x4096xf32>
      %mul3A_118 = arith.mulf %convert_element_type3A_115, %mul3A_117 : vector<256x4096xf32>
      %add3A_119 = arith.addf %scan3A_95, %mul3A_118 : vector<256x4096xf32>
      scf.yield %add3A_119, %add3A_111 : vector<256x4096xf32>, vector<256x16xf32>
    }
    %scan3A_83 = arith.constant 16 : i32
    %convert_element_type3A_84 = arith.fptosi %scan3A_82#1 : vector<256x16xf32> to vector<256x16xi32>
    %mul3A_85 = arith.constant 4096 : i32
    %mul3A_86 = arith.muli %add3A_0, %mul3A_85 : i32
    %add3A_87 = vector.broadcast %mul3A_86 : i32 to vector<256x16xi32>
    %add3A_88 = arith.addi %convert_element_type3A_84, %add3A_87 : vector<256x16xi32>
    %swap3A = arith.constant 0 : index
    %swap3A_89 = arith.constant 0 : index
    %swap3A_90 = arith.constant 0 : index
    %swap3A_91 = vector.load %arg8[%swap3A, %swap3A_89, %swap3A_90] : memref<1x256x16xi32, #tpu.memory_space<vmem>>, vector<1x256x16xi32>
    %swap3A_92 = vector.shape_cast %swap3A_91 : vector<1x256x16xi32> to vector<256x16xi32>
    %swap3A_93 = vector.shape_cast %add3A_88 : vector<256x16xi32> to vector<1x256x16xi32>
    tpu.vector_store %arg8[%swap3A, %swap3A_89, %swap3A_90], %swap3A_93 {strides = array<i32>} : memref<1x256x16xi32, #tpu.memory_space<vmem>>, vector<1x256x16xi32>,
    return
  }
  func.func @transform_0(%arg0: i32, %arg1: i32) -> (i32, i32, i32) {
    %add3A = arith.constant 0 : i32
    %add3A_0 = arith.addi %arg0, %add3A : i32
    %c0_i32 = arith.constant 0 : i32
    %c0_i32_1 = arith.constant 0 : i32
    return %add3A_0, %arg1, %c0_i32 : i32, i32, i32
  }
  func.func @transform_1(%arg0: i32, %arg1: i32) -> (i32, i32, i32) {
    %add3A = arith.constant 0 : i32
    %add3A_0 = arith.addi %arg0, %add3A : i32
    %c0_i32 = arith.constant 0 : i32
    %c0_i32_1 = arith.constant 0 : i32
    return %add3A_0, %arg1, %c0_i32 : i32, i32, i32
  }
  func.func @transform_2(%arg0: i32, %arg1: i32) -> (i32, i32, i32) {
    %add3A = arith.constant 0 : i32
    %add3A_0 = arith.addi %arg0, %add3A : i32
    %c0_i32 = arith.constant 0 : i32
    %c0_i32_1 = arith.constant 0 : i32
    return %add3A_0, %arg1, %c0_i32 : i32, i32, i32
  }
  func.func @transform_3(%arg0: i32, %arg1: i32) -> (i32, i32, i32) {
    %add3A = arith.constant 0 : i32
    %add3A_0 = arith.addi %arg0, %add3A : i32
    %c0_i32 = arith.constant 0 : i32
    %c0_i32_1 = arith.constant 0 : i32
    %c0_i32_2 = arith.constant 0 : i32
    return %add3A_0, %c0_i32, %c0_i32_1 : i32, i32, i32
  }
  func.func @transform_4(%arg0: i32, %arg1: i32) -> (i32, i32, i32) {
    %add3A = arith.constant 0 : i32
    %add3A_0 = arith.addi %arg0, %add3A : i32
    %c0_i32 = arith.constant 0 : i32
    %c0_i32_1 = arith.constant 0 : i32
    %c0_i32_2 = arith.constant 0 : i32
    return %add3A_0, %c0_i32, %c0_i32_1 : i32, i32, i32
  }
  func.func @transform_5(%arg0: i32, %arg1: i32) -> (i32, i32, i32) {
    %add3A = arith.constant 0 : i32
    %add3A_0 = arith.addi %arg0, %add3A : i32
    %c0_i32 = arith.constant 0 : i32
    %c0_i32_1 = arith.constant 0 : i32
    %c0_i32_2 = arith.constant 0 : i32
    return %add3A_0, %c0_i32, %c0_i32_1 : i32, i32, i32
  }
  func.func @transform_6(%arg0: i32, %arg1: i32) -> (i32, i32, i32) {
    %c0_i32 = arith.constant 0 : i32
    %c0_i32_0 = arith.constant 0 : i32
    return %arg0, %arg1, %c0_i32 : i32, i32, i32
  }
}

module attributes {stable_mosaic.version = 14 : i64} {
  func.func @_mlp_body(%arg0: i32, %arg1: memref<128x16x128xi32, #tpu.memory_space<vmem>>, %arg2: memref<128x1xf32, #tpu.memory_space<vmem>>, %arg3: memref<128x1xf32, #tpu.memory_space<vmem>>, %arg4: memref<128x1xf32, #tpu.memory_space<vmem>>, %arg5: memref<256x256xbf16, #tpu.memory_space<vmem>>, %arg6: memref<1x256xf32, #tpu.memory_space<vmem>>, %arg7: memref<256x256xf32, #tpu.memory_space<vmem>>, %arg8: memref<1x256xf32, #tpu.memory_space<vmem>>, %arg9: memref<1x256xf32, #tpu.memory_space<vmem>>, %arg10: memref<1x256xf32, #tpu.memory_space<vmem>>, %arg11: memref<128x256xf32, #tpu.memory_space<vmem>>) attributes {dimension_semantics = [#tpu.dimension_semantics<arbitrary>], iteration_bounds = array<i64: 32>, scalar_prefetch = 0 : i64, scratch_operands = 0 : i64, tpu.core_type = #tpu.core_type<tc>, window_params = [{transform_indices = @transform_0, window_bounds = array<i64: 128, 16, 128>}, {transform_indices = @transform_1, window_bounds = array<i64: 128, 1>}, {transform_indices = @transform_2, window_bounds = array<i64: 128, 1>}, {transform_indices = @transform_3, window_bounds = array<i64: 128, 1>}, {pipeline_mode = #tpu.pipeline_mode<synchronous>, transform_indices = @transform_4, window_bounds = array<i64: 256, 256>}, {pipeline_mode = #tpu.pipeline_mode<synchronous>, transform_indices = @transform_5, window_bounds = array<i64: 1, 256>}, {pipeline_mode = #tpu.pipeline_mode<synchronous>, transform_indices = @transform_6, window_bounds = array<i64: 256, 256>}, {pipeline_mode = #tpu.pipeline_mode<synchronous>, transform_indices = @transform_7, window_bounds = array<i64: 1, 256>}, {pipeline_mode = #tpu.pipeline_mode<synchronous>, transform_indices = @transform_8, window_bounds = array<i64: 1, 256>}, {pipeline_mode = #tpu.pipeline_mode<synchronous>, transform_indices = @transform_9, window_bounds = array<i64: 1, 256>}, {transform_indices = @transform_10, window_bounds = array<i64: 128, 256>}]} {
    %get3A = arith.constant 0 : index
    %get3A_0 = arith.constant 0 : index
    %get3A_1 = vector.load %arg5[%get3A, %get3A_0] : memref<256x256xbf16, #tpu.memory_space<vmem>>, vector<256x256xbf16>
    %get3A_2 = arith.constant 0 : index
    %get3A_3 = arith.constant 0 : index
    %get3A_4 = vector.load %arg7[%get3A_2, %get3A_3] : memref<256x256xf32, #tpu.memory_space<vmem>>, vector<256x256xf32>
    %get3A_5 = arith.constant 0 : index
    %get3A_6 = arith.constant 0 : index
    %get3A_7 = arith.constant 0 : index
    %get3A_8 = vector.load %arg1[%get3A_5, %get3A_6, %get3A_7] : memref<128x16x128xi32, #tpu.memory_space<vmem>>, vector<128x16x128xi32>
    %reshape3A = vector.shape_cast %get3A_8 : vector<128x16x128xi32> to vector<2048x128xi32>
    %shift_left3A = arith.constant 16 : i32
    %shift_left3A_9 = vector.broadcast %shift_left3A : i32 to vector<2048x128xi32>
    %shift_left3A_10 = arith.shli %reshape3A, %shift_left3A_9 : vector<2048x128xi32>
    %bitcast_convert_type3A = tpu.bitcast %shift_left3A_10 : vector<2048x128xi32> -> vector<2048x128xf32>
    %and3A = arith.constant -65536 : i32
    %and3A_11 = vector.broadcast %and3A : i32 to vector<2048x128xi32>
    %and3A_12 = arith.andi %reshape3A, %and3A_11 : vector<2048x128xi32>
    %bitcast_convert_type3A_13 = tpu.bitcast %and3A_12 : vector<2048x128xi32> -> vector<2048x128xf32>
    %convert_element_type3A = arith.truncf %bitcast_convert_type3A : vector<2048x128xf32> to vector<2048x128xbf16>
    %slice3A = vector.extract_strided_slice %get3A_1 {offsets = [0, 0], sizes = [128, 256], strides = [1, 1]} : vector<256x256xbf16> to vector<128x256xbf16>
    %dot_general3A = arith.constant dense<0.000000e+00> : vector<2048x256xf32>
    %dot_general3A_14 = tpu.matmul %convert_element_type3A, %slice3A, %dot_general3A {dimension_numbers = #tpu.dot_dimension_numbers<[1], [0], [0], [1], [0, 0, 1, 1], [], []>, transpose_lhs_hint = false} : vector<2048x128xbf16>, vector<128x256xbf16>, vector<2048x256xf32> -> vector<2048x256xf32>
    %convert_element_type3A_15 = arith.truncf %bitcast_convert_type3A_13 : vector<2048x128xf32> to vector<2048x128xbf16>
    %slice3A_16 = vector.extract_strided_slice %get3A_1 {offsets = [128, 0], sizes = [128, 256], strides = [1, 1]} : vector<256x256xbf16> to vector<128x256xbf16>
    %dot_general3A_17 = arith.constant dense<0.000000e+00> : vector<2048x256xf32>
    %dot_general3A_18 = tpu.matmul %convert_element_type3A_15, %slice3A_16, %dot_general3A_17 {dimension_numbers = #tpu.dot_dimension_numbers<[1], [0], [0], [1], [0, 0, 1, 1], [], []>, transpose_lhs_hint = false} : vector<2048x128xbf16>, vector<128x256xbf16>, vector<2048x256xf32> -> vector<2048x256xf32>
    %add3A = arith.addf %dot_general3A_14, %dot_general3A_18 : vector<2048x256xf32>
    %get3A_19 = arith.constant 0 : index
    %get3A_20 = arith.constant 0 : index
    %get3A_21 = vector.load %arg6[%get3A_19, %get3A_20] : memref<1x256xf32, #tpu.memory_space<vmem>>, vector<1x256xf32>
    %add3A_22 = vector.broadcast %get3A_21 : vector<1x256xf32> to vector<2048x256xf32>
    %add3A_23 = arith.addf %add3A, %add3A_22 : vector<2048x256xf32>
    %get3A_24 = arith.constant 0 : index
    %get3A_25 = arith.constant 0 : index
    %get3A_26 = vector.load %arg2[%get3A_24, %get3A_25] : memref<128x1xf32, #tpu.memory_space<vmem>>, vector<128x1xf32>
    %convert_element_type3A_27 = arith.truncf %get3A_26 : vector<128x1xf32> to vector<128x1xbf16>
    %convert_element_type3A_28 = arith.extf %convert_element_type3A_27 : vector<128x1xbf16> to vector<128x1xf32>
    %slice3A_29 = vector.extract_strided_slice %get3A_1 {offsets = [0, 0], sizes = [1, 256], strides = [1, 1]} : vector<256x256xbf16> to vector<1x256xbf16>
    %convert_element_type3A_30 = arith.extf %slice3A_29 : vector<1x256xbf16> to vector<1x256xf32>
    %mul3A = vector.broadcast %convert_element_type3A_28 : vector<128x1xf32> to vector<128x256xf32>
    %mul3A_31 = vector.broadcast %convert_element_type3A_30 : vector<1x256xf32> to vector<128x256xf32>
    %mul3A_32 = arith.mulf %mul3A, %mul3A_31 : vector<128x256xf32>
    %get3A_33 = arith.constant 0 : index
    %get3A_34 = arith.constant 0 : index
    %get3A_35 = vector.load %arg3[%get3A_33, %get3A_34] : memref<128x1xf32, #tpu.memory_space<vmem>>, vector<128x1xf32>
    %convert_element_type3A_36 = arith.truncf %get3A_35 : vector<128x1xf32> to vector<128x1xbf16>
    %convert_element_type3A_37 = arith.extf %convert_element_type3A_36 : vector<128x1xbf16> to vector<128x1xf32>
    %slice3A_38 = vector.extract_strided_slice %get3A_1 {offsets = [1, 0], sizes = [1, 256], strides = [1, 1]} : vector<256x256xbf16> to vector<1x256xbf16>
    %convert_element_type3A_39 = arith.extf %slice3A_38 : vector<1x256xbf16> to vector<1x256xf32>
    %mul3A_40 = vector.broadcast %convert_element_type3A_37 : vector<128x1xf32> to vector<128x256xf32>
    %mul3A_41 = vector.broadcast %convert_element_type3A_39 : vector<1x256xf32> to vector<128x256xf32>
    %mul3A_42 = arith.mulf %mul3A_40, %mul3A_41 : vector<128x256xf32>
    %add3A_43 = arith.addf %mul3A_32, %mul3A_42 : vector<128x256xf32>
    %get3A_44 = arith.constant 0 : index
    %get3A_45 = arith.constant 0 : index
    %get3A_46 = vector.load %arg4[%get3A_44, %get3A_45] : memref<128x1xf32, #tpu.memory_space<vmem>>, vector<128x1xf32>
    %convert_element_type3A_47 = arith.truncf %get3A_46 : vector<128x1xf32> to vector<128x1xbf16>
    %convert_element_type3A_48 = arith.extf %convert_element_type3A_47 : vector<128x1xbf16> to vector<128x1xf32>
    %slice3A_49 = vector.extract_strided_slice %get3A_1 {offsets = [2, 0], sizes = [1, 256], strides = [1, 1]} : vector<256x256xbf16> to vector<1x256xbf16>
    %convert_element_type3A_50 = arith.extf %slice3A_49 : vector<1x256xbf16> to vector<1x256xf32>
    %mul3A_51 = vector.broadcast %convert_element_type3A_48 : vector<128x1xf32> to vector<128x256xf32>
    %mul3A_52 = vector.broadcast %convert_element_type3A_50 : vector<1x256xf32> to vector<128x256xf32>
    %mul3A_53 = arith.mulf %mul3A_51, %mul3A_52 : vector<128x256xf32>
    %add3A_54 = arith.addf %add3A_43, %mul3A_53 : vector<128x256xf32>
    %reshape3A_55 = vector.shape_cast %add3A_23 : vector<2048x256xf32> to vector<128x16x256xf32>
    %reshape3A_56 = vector.shape_cast %add3A_54 : vector<128x256xf32> to vector<128x1x256xf32>
    %sub3A = vector.broadcast %reshape3A_56 : vector<128x1x256xf32> to vector<128x16x256xf32>
    %sub3A_57 = arith.subf %reshape3A_55, %sub3A : vector<128x16x256xf32>
    %max3A = arith.constant 0.000000e+00 : f32
    %max3A_58 = vector.broadcast %max3A : f32 to vector<128x16x256xf32>
    %max3A_59 = arith.maximumf %sub3A_57, %max3A_58 : vector<128x16x256xf32>
    %reshape3A_60 = vector.shape_cast %max3A_59 : vector<128x16x256xf32> to vector<2048x256xf32>
    %convert_element_type3A_61 = arith.truncf %reshape3A_60 : vector<2048x256xf32> to vector<2048x256xbf16>
    %convert_element_type3A_62 = arith.truncf %get3A_4 : vector<256x256xf32> to vector<256x256xbf16>
    %dot_general3A_63 = arith.constant dense<0.000000e+00> : vector<2048x256xf32>
    %dot_general3A_64 = tpu.matmul %convert_element_type3A_61, %convert_element_type3A_62, %dot_general3A_63 {dimension_numbers = #tpu.dot_dimension_numbers<[1], [0], [0], [1], [0, 0, 1, 1], [], []>, transpose_lhs_hint = false} : vector<2048x256xbf16>, vector<256x256xbf16>, vector<2048x256xf32> -> vector<2048x256xf32>
    %get3A_65 = arith.constant 0 : index
    %get3A_66 = arith.constant 0 : index
    %get3A_67 = vector.load %arg8[%get3A_65, %get3A_66] : memref<1x256xf32, #tpu.memory_space<vmem>>, vector<1x256xf32>
    %add3A_68 = vector.broadcast %get3A_67 : vector<1x256xf32> to vector<2048x256xf32>
    %add3A_69 = arith.addf %dot_general3A_64, %add3A_68 : vector<2048x256xf32>
    %reshape3A_70 = vector.shape_cast %add3A_69 : vector<2048x256xf32> to vector<128x16x256xf32>
    %reduce_max3A = arith.constant dense<0xFF800000> : vector<128x256xf32>
    %reduce_max3A_71 = vector.multi_reduction <maximumf>, %reshape3A_70, %reduce_max3A [1] : vector<128x16x256xf32> to vector<128x256xf32>
    %reduce_sum3A = arith.constant dense<0.000000e+00> : vector<128xf32>
    %reduce_sum3A_72 = vector.multi_reduction <add>, %reduce_max3A_71, %reduce_sum3A [1] : vector<128x256xf32> to vector<128xf32>
    %broadcast_in_dim3A = vector.shape_cast %reduce_sum3A_72 : vector<128xf32> to vector<128x1xf32>
    %div3A = arith.constant 2.560000e+02 : f32
    %div3A_73 = vector.broadcast %div3A : f32 to vector<128x1xf32>
    %div3A_74 = arith.divf %broadcast_in_dim3A, %div3A_73 : vector<128x1xf32>
    %sub3A_75 = vector.broadcast %div3A_74 : vector<128x1xf32> to vector<128x256xf32>
    %sub3A_76 = arith.subf %reduce_max3A_71, %sub3A_75 : vector<128x256xf32>
    %mul3A_77 = arith.mulf %sub3A_76, %sub3A_76 : vector<128x256xf32>
    %reduce_sum3A_78 = arith.constant dense<0.000000e+00> : vector<128xf32>
    %reduce_sum3A_79 = vector.multi_reduction <add>, %mul3A_77, %reduce_sum3A_78 [1] : vector<128x256xf32> to vector<128xf32>
    %broadcast_in_dim3A_80 = vector.shape_cast %reduce_sum3A_79 : vector<128xf32> to vector<128x1xf32>
    %div3A_81 = arith.constant 2.560000e+02 : f32
    %div3A_82 = vector.broadcast %div3A_81 : f32 to vector<128x1xf32>
    %div3A_83 = arith.divf %broadcast_in_dim3A_80, %div3A_82 : vector<128x1xf32>
    %add3A_84 = arith.constant 9.99999974E-6 : f32
    %add3A_85 = vector.broadcast %add3A_84 : f32 to vector<128x1xf32>
    %add3A_86 = arith.addf %div3A_83, %add3A_85 : vector<128x1xf32>
    %rsqrt3A = math.rsqrt %add3A_86 : vector<128x1xf32>
    %mul3A_87 = vector.broadcast %rsqrt3A : vector<128x1xf32> to vector<128x256xf32>
    %mul3A_88 = arith.mulf %sub3A_76, %mul3A_87 : vector<128x256xf32>
    %get3A_89 = arith.constant 0 : index
    %get3A_90 = arith.constant 0 : index
    %get3A_91 = vector.load %arg9[%get3A_89, %get3A_90] : memref<1x256xf32, #tpu.memory_space<vmem>>, vector<1x256xf32>
    %mul3A_92 = vector.broadcast %get3A_91 : vector<1x256xf32> to vector<128x256xf32>
    %mul3A_93 = arith.mulf %mul3A_88, %mul3A_92 : vector<128x256xf32>
    %get3A_94 = arith.constant 0 : index
    %get3A_95 = arith.constant 0 : index
    %get3A_96 = vector.load %arg10[%get3A_94, %get3A_95] : memref<1x256xf32, #tpu.memory_space<vmem>>, vector<1x256xf32>
    %add3A_97 = vector.broadcast %get3A_96 : vector<1x256xf32> to vector<128x256xf32>
    %add3A_98 = arith.addf %mul3A_93, %add3A_97 : vector<128x256xf32>
    %swap3A = arith.constant 0 : index
    %swap3A_99 = arith.constant 0 : index
    %swap3A_100 = vector.load %arg11[%swap3A, %swap3A_99] : memref<128x256xf32, #tpu.memory_space<vmem>>, vector<128x256xf32>
    tpu.vector_store %arg11[%swap3A, %swap3A_99], %add3A_98 {strides = array<i32>} : memref<128x256xf32, #tpu.memory_space<vmem>>, vector<128x256xf32>,
    return
  }
  func.func @transform_0(%arg0: i32) -> (i32, i32, i32) {
    %c0_i32 = arith.constant 0 : i32
    %c0_i32_0 = arith.constant 0 : i32
    %c0_i32_1 = arith.constant 0 : i32
    return %arg0, %c0_i32, %c0_i32_0 : i32, i32, i32
  }
  func.func @transform_1(%arg0: i32) -> (i32, i32) {
    %c0_i32 = arith.constant 0 : i32
    %c0_i32_0 = arith.constant 0 : i32
    return %arg0, %c0_i32 : i32, i32
  }
  func.func @transform_2(%arg0: i32) -> (i32, i32) {
    %c0_i32 = arith.constant 0 : i32
    %c0_i32_0 = arith.constant 0 : i32
    return %arg0, %c0_i32 : i32, i32
  }
  func.func @transform_3(%arg0: i32) -> (i32, i32) {
    %c0_i32 = arith.constant 0 : i32
    %c0_i32_0 = arith.constant 0 : i32
    return %arg0, %c0_i32 : i32, i32
  }
  func.func @transform_4(%arg0: i32) -> (i32, i32) {
    %c0_i32 = arith.constant 0 : i32
    %c0_i32_0 = arith.constant 0 : i32
    %c0_i32_1 = arith.constant 0 : i32
    return %c0_i32, %c0_i32_0 : i32, i32
  }
  func.func @transform_5(%arg0: i32) -> (i32, i32) {
    %c0_i32 = arith.constant 0 : i32
    %c0_i32_0 = arith.constant 0 : i32
    %c0_i32_1 = arith.constant 0 : i32
    return %c0_i32, %c0_i32_0 : i32, i32
  }
  func.func @transform_6(%arg0: i32) -> (i32, i32) {
    %c0_i32 = arith.constant 0 : i32
    %c0_i32_0 = arith.constant 0 : i32
    %c0_i32_1 = arith.constant 0 : i32
    return %c0_i32, %c0_i32_0 : i32, i32
  }
  func.func @transform_7(%arg0: i32) -> (i32, i32) {
    %c0_i32 = arith.constant 0 : i32
    %c0_i32_0 = arith.constant 0 : i32
    %c0_i32_1 = arith.constant 0 : i32
    return %c0_i32, %c0_i32_0 : i32, i32
  }
  func.func @transform_8(%arg0: i32) -> (i32, i32) {
    %c0_i32 = arith.constant 0 : i32
    %c0_i32_0 = arith.constant 0 : i32
    %c0_i32_1 = arith.constant 0 : i32
    return %c0_i32, %c0_i32_0 : i32, i32
  }
  func.func @transform_9(%arg0: i32) -> (i32, i32) {
    %c0_i32 = arith.constant 0 : i32
    %c0_i32_0 = arith.constant 0 : i32
    %c0_i32_1 = arith.constant 0 : i32
    return %c0_i32, %c0_i32_0 : i32, i32
  }
  func.func @transform_10(%arg0: i32) -> (i32, i32) {
    %c0_i32 = arith.constant 0 : i32
    %c0_i32_0 = arith.constant 0 : i32
    return %arg0, %c0_i32 : i32, i32
  }
}

</mosaic_0001>

<sc_bundles>
// kernel: kernel.12.cloned.1.call-start
scs
__scs_entry_jumppad:
0x0: {  	(pc) =	sbr.rel $0x88, $3  }
0x1: {  	(tag) =	ssettag $0x0;
	lr =	simm.s32 $0x1  }
0x2: {  	[smem:$0x3F99] =	sst lr;
	_ =	strace $0xD0000000  }
0x3: {  	_ = 	snop  }
0x4: {  	_ = 	snop  }
0x5: {  	_ = 	snop  }
0x6: {  	_ = 	snop  }
0x7: {  	_ = 	snop  }
__scs_overlays_trampoline_lowered:
0x8: {  	[smem:$0x3FA8] =	sst s0  }
0x9: {  	[smem:$0x3FA9] =	sst s1  }
0xa: {  	[smem:$0x3FAA] =	sst s2  }
0xb: {  	[smem:$0x3FAB] =	sst s3  }
0xc: {  	[smem:$0x3FAC] =	sst s4  }
0xd: {  	[smem:$0x3FAD] =	sst s5  }
0xe: {  	[smem:$0x3FAE] =	sst s6  }
0xf: {  	[smem:$0x3FAF] =	sst s7  }
0x10: {  	[smem:$0x3FB0] =	sst s8  }
0x11: {  	[smem:$0x3FB1] =	sst s9;
	s0 =	simm.s32 @!p0 $0x0  }
0x12: {  	s1 =	sld [smem:$0x3F97];
	s0 =	simm.s32 @p0 $0x1  }
0x13: {  	[smem:$0x3FB2] =	sst s0;
	s0 =	simm.s32 @!p1 $0x0  }
0x14: {  	s2 =	sld [smem:$0x3F96];
	s0 =	simm.s32 @p1 $0x1  }
0x15: {  	[smem:$0x3FB3] =	sst s0;
	s0 =	simm.s32 @!p2 $0x0  }
0x16: {  	s3 =	sld [smem:$0x3FDB];
	s0 =	simm.s32 @p2 $0x1  }
0x17: {  	s4 =	simm.s32 $0x1BF5;
	[smem:$0x3FB5] =	sst s0  }
0x18: {  	s0 =	sld [smem:$0x3F98];
	_ =	swait.ge [sflag:s4], $0x0  }
0x19: {  	s7 =	sld [smem:$0x3F99]  }
0x1a: {  	s8 =	sadd.s32 $0xFFFFE003, lr  }
0x1b: {  	s9 =	sadd.s32 $0xFFFFFEF7, lr;
	s5 =	simm.s32 $0xFFFFFFFF;
	p2 =	slt.u32 s8, $0xFFFFF086  }
0x1c: {  	p1 =	slt.u32 s9, $0xF7A;
	s5 =	simm.s32 @!p2 $0x0  }
0x1d: {  	s5 =	simm.s32 @p1 $0x1;
	p0 =	seq.s32 s7, s2  }
0x1e: {  	s7 =	smul.u32 @!p0 $0xF7A, s2;
	p2 =	seq.s32 @!p0 s5, $0x0  }
0x1f: {  	s9 =	smul.u32 $0xF7A, s1;
	s8 =	simm.s32 @!p0 $0x1BF5;
	p2 =	por !p2, p0  }
0x20: {  	[sflag:s8] =	ssyncset.s32 @!p0 $0xFFFFF086;
	s6 =	sadd.s32 @!p0 s3, s7;
	s7 =	simm.s32 @!p0 $0x108  }
0x21: {  	s3 =	sadd.s32 s3, s9;
	s6 =	sadd.s32 @!p0 $0x88, s6;
	s7 =	simm.s32 @p2 $0x1082  }
0x22: {  	[simem:s7], [sflag:s8] =	dma.local @!p0 [hbm:s6], $0xF7A  }
0x23: {  	s9 =	sor.u32 $0xD0000000, s2;
	s6 =	simm.s32 $0x108;
	_ =	swait.ge @!p0 [sflag:s8], $0x0  }
0x24: {  	s3 =	sadd.s32 $0x88, s3;
	s6 =	simm.s32 @!p1 $0x1082;
	[sflag:s4] =	ssyncset.s32 $0xFFFFF086  }
0x25: {  	[simem:s6], [sflag:s4] =	dma.local [hbm:s3], $0xF7A  }
0x26: {  	[smem:$0x3F99] =	sst s1;
	(tag) =	ssettag s2;
	_ =	strace s9  }
0x27: {  	s1 =	sld [smem:$0x3FA9]  }
0x28: {  	s2 =	sld [smem:$0x3FAA]  }
0x29: {  	s4 =	sld [smem:$0x3FAC]  }
0x2a: {  	p0 =	seq.s32 s5, $0x0;
	s5 =	sld [smem:$0x3FAD]  }
0x2b: {  	s6 =	sld [smem:$0x3FAE]  }
0x2c: {  	s7 =	sld [smem:$0x3FAF]  }
0x2d: {  	s3 =	simm.s32 $0x108;
	s8 =	sld [smem:$0x3FB0]  }
0x2e: {  	s3 =	simm.s32 @!p0 $0x1082;
	s9 =	sld [smem:$0x3FB1]  }
0x2f: {  	lr =	sadd.s32 s0, s3;
	s0 =	sld [smem:$0x3FA8]  }
0x30: {  	s3 =	sld [smem:$0x3FAB]  }
0x31: {  	[smem:$0x3FB4] =	sst s10  }
0x32: {  	s10 =	sld [smem:$0x3FB2];
	_ =	sdelay $0x3  }
0x33: {  	p0 =	seq.s32 s10, $0x1;
	s10 =	sld [smem:$0x3FB4];
	_ =	sdelay $0x3  }
0x34: {  	[smem:$0x3FB4] =	sst s10  }
0x35: {  	s10 =	sld [smem:$0x3FB3];
	_ =	sdelay $0x3  }
0x36: {  	p1 =	seq.s32 s10, $0x1;
	s10 =	sld [smem:$0x3FB4];
	_ =	sdelay $0x3  }
0x37: {  	[smem:$0x3FB4] =	sst s10  }
0x38: {  	s10 =	sld [smem:$0x3FB5]  }
0x39: {  	_ = 	snop;
	(pc) =	sbr.ind lr, $3  }
0x3a: {  	_ = 	snop  }
0x3b: {  	_ = 	snop  }
0x3c: {  	p2 =	seq.s32 s10, $0x1;
	s10 =	sld [smem:$0x3FB4]  }
0x3d: {  	_ =	shalt  }
0x3e: {  	_ =	shalt  }
0x3f: {  	_ =	shalt  }
0x40: {  	_ =	shalt  }
0x41: {  	_ =	shalt  }
0x42: {  	_ =	shalt  }
0x43: {  	_ =	shalt  }
0x44: {  	_ =	shalt  }
0x45: {  	_ =	shalt  }
0x46: {  	_ =	shalt  }
0x47: {  	_ =	shalt  }
0x48: {  	_ =	shalt  }
0x49: {  	_ =	shalt  }
0x4a: {  	_ =	shalt  }
0x4b: {  	_ =	shalt  }
0x4c: {  	_ =	shalt  }
0x4d: {  	_ =	shalt  }
0x4e: {  	_ =	shalt  }
0x4f: {  	_ =	shalt  }
0x50: {  	_ =	shalt  }
0x51: {  	_ =	shalt  }
0x52: {  	_ =	shalt  }
0x53: {  	_ =	shalt  }
0x54: {  	_ =	shalt  }
0x55: {  	_ =	shalt  }
0x56: {  	_ =	shalt  }
0x57: {  	_ =	shalt  }
0x58: {  	_ =	shalt  }
0x59: {  	_ =	shalt  }
0x5a: {  	_ =	shalt  }
0x5b: {  	_ =	shalt  }
0x5c: {  	_ =	shalt  }
0x5d: {  	_ =	shalt  }
0x5e: {  	_ =	shalt  }
0x5f: {  	_ =	shalt  }
0x60: {  	_ =	shalt  }
0x61: {  	_ =	shalt  }
0x62: {  	_ =	shalt  }
0x63: {  	_ =	shalt  }
0x64: {  	_ =	shalt  }
0x65: {  	_ =	shalt  }
0x66: {  	_ =	shalt  }
0x67: {  	_ =	shalt  }
0x68: {  	_ =	shalt  }
0x69: {  	_ =	shalt  }
0x6a: {  	_ =	shalt  }
0x6b: {  	_ =	shalt  }
0x6c: {  	_ =	shalt  }
0x6d: {  	_ =	shalt  }
0x6e: {  	_ =	shalt  }
0x6f: {  	_ =	shalt  }
0x70: {  	_ =	shalt  }
0x71: {  	_ =	shalt  }
0x72: {  	_ =	shalt  }
0x73: {  	_ =	shalt  }
0x74: {  	_ =	shalt  }
0x75: {  	_ =	shalt  }
0x76: {  	_ =	shalt  }
0x77: {  	_ =	shalt  }
0x78: {  	_ =	shalt  }
0x79: {  	_ =	shalt  }
0x7a: {  	_ =	shalt  }
0x7b: {  	_ =	shalt  }
0x7c: {  	_ =	shalt  }
0x7d: {  	_ =	shalt  }
0x7e: {  	_ =	shalt  }
0x7f: {  	_ =	shalt  }
0x80: {  	_ =	shalt  }
0x81: {  	_ =	shalt  }
0x82: {  	_ =	shalt  }
0x83: {  	_ =	shalt  }
0x84: {  	_ =	shalt  }
0x85: {  	_ =	shalt  }
0x86: {  	_ =	shalt  }
0x87: {  	_ =	shalt  }
.Lfunc_end0:
.L_simem_size_0:
called_computation.1_lowered:
.L_overlay_start_0:
0x88: {  	s2 =	sld [smem:$0x3FD9]  }
0x89: {  	s3 =	sld [smem:$0x3FFE];
	_ =	sdelay $0x1  }
0x8a: {  	s1 =	srdreg.scid  }
0x8b: {  	s0 =	sand.u32 $0x1, s1  }
0x8c: {  	s14 =	sshll.u32 s0, $0xA;
	s2 =	sadd.s32 s3, s2  }
0x8d: {  	s2 =	sadd.s32 s2, s14  }
0x8e: {  	[smem:$0x3FC0] =	sst s2  }
0x8f: {  	_ = 	snop  }
0x90: {  	s2 =	sld [smem:$0x3FD0];
	_ =	sdelay $0x2  }
0x91: {  	s15 =	simm.s32 $0xB;
	s4 =	simm.s32 $0x10  }
0x92: {  	[smem:s4], [sflag:s15] =	dma.local [hbm:s2], $0x1  }
0x93: {  	_ =	swait.eq [sflag:s15], $0x1  }
0x94: {  	[sflag:s15] =	ssyncset.done $0x0  }
0x95: {  	[sflag:s15] =	ssyncadd.s32 $0xFFFFFFFF  }
0x96: {  	s16 =	sld [smem:$0x11];
	(tm) =	ssettm $0x1  }
0x97: {  	s17 =	sld [smem:$0x3FFB];
	_ =	sdelay $0x3  }
0x98: {  	_ =	strace s17  }
0x99: {  	s3 =	sld [smem:$0x3FFC];
	_ =	sdelay $0x3  }
0x9a: {  	_ =	strace s3  }
0x9b: {  	s3 =	sld [smem:$0x3FFD];
	_ =	sdelay $0x3  }
0x9c: {  	_ =	strace s3  }
0x9d: {  	_ =	strace $0x8FFFFFFF  }
0x9e: {  	s18 =	sld [smem:$0x3FDB];
	_ =	sdelay $0x1  }
0x9f: {  	s19 =	simm.s32 $_scs_section_size  }
0xa0: {  	s5 =	simm.s32 $_size__tile_overlayer_lowered;
	s6 =	simm.s32 $_tile_overlayer_lowered  }
0xa1: {  	s22 =	simm.s32 $0x1BFF;
	s21 =	sshll.u32 s6, $0x1;
	s3 =	sadd.s32 s19, s18  }
0xa2: {  	s7 =	simm.s32 $0x0;
	s20 =	sshll.u32 s5, $0x1;
	s5 =	sadd.s32 s21, s3  }
0xa3: {  	[timem:s7], [sflag:s22] =	dma.local [hbm:s5], s20  }
0xa4: {  	_ =	swait.ge [sflag:s22], s20  }
0xa5: {  	s4 =	ssub.s32 $0x0, s20;
	[sflag:s22] =	ssyncset.done $0x0  }
0xa6: {  	[sflag:s22] =	ssyncadd.s32 s4;
	_ =	sdelay $0x1  }
0xa7: {  	s23 =	simm.s32 $0x1B8B  }
0xa8: {  	_ =	swait.ge [sflag:s23], $0x1  }
0xa9: {  	[sflag:s23] =	ssyncset.done $0x0  }
0xaa: {  	s25 =	simm.s32 $0x1B8E;
	s24 =	sld [smem:$0x3FFE];
	[sflag:s23] =	ssyncadd.s32 $0xFFFFFFFF  }
0xab: {  	s26 =	simm.s32 $execute0_lowered;
	[smem:$0x3FD2] =	sst s25  }
0xac: {  	s5 =	sshll.u32 s26, $0x1;
	_ =	strace $0x80000046;
	[dreg:$0x1] =	wrdreg $0xFFFFFFFF  }
0xad: {  	s28 =	simm.s32 $_size_execute0_lowered;
	s3 =	sadd.s32 s3, s5;
	[dreg:$0x0] =	wrdreg $0x0  }
0xae: {  	s5 =	sshll.u32 s28, $0x1;
	[dreg:$0x2] =	wrdreg s3  }
0xaf: {  	[dreg:$0x3] =	wrdreg s5  }
0xb0: {  	[dreg:$0x4] =	wrdreg $0xC0  }
0xb1: {  	_ =	task [dreg:s7], $0x5FFFF  }
0xb2: {  	[dreg:$0x1] =	wrdreg $0xFFFFFFFF  }
0xb3: {  	[dreg:$0x0] =	wrdreg $0x60  }
0xb4: {  	[dreg:$0x2] =	wrdreg s24  }
0xb5: {  	[dreg:$0x3] =	wrdreg s16  }
0xb6: {  	[dreg:$0x4] =	wrdreg $0xA  }
0xb7: {  	_ =	task.clear_ibuf [dreg:s7], $0x5FFFF;
	_ =	strace $0x90000046  }
0xb8: {  	s29 =	simm.s32 $0xA;
	_ =	strace $0x8000004F  }
0xb9: {  	_ =	swait.ge [sflag:s29], $0x1  }
0xba: {  	[sflag:s29] =	ssyncadd.s32 $0xFFFFFFFF  }
0xbb: {  	_ =	strace $0x9000004F  }
0xbc: {  	_ =	sfence  }
0xbd: {  	s30 =	sld [smem:$0x0];
	_ =	sdelay $0x2  }
0xbe: {  	s31 =	sshll.u32 s1, $0xD;
	s1 =	sshrl.u32 s1, $0x2  }
0xbf: {  	s3 =	sand.u32 $0x4000, s31;
	s1 =	sadd.s32 s1, s30  }
0xc0: {  	s0 =	sor.u32 s3, s0;
	s1 =	sshll.u32 s1, $0x11  }
0xc1: {  	s0 =	sor.u32 s1, s0  }
0xc2: {  	s0 =	sadd.s32 $0x8F2B, s0  }
0xc3: {  	[sflag:s0] =	ssyncadd.remote.s32 $0x1  }
0xc4: {  	_ =	sfence.sel $0xFFFF  }
0xc5: {  	[dreg:$0x0] =	wrdreg $0xFFFFFFFF;
	(pc) =	sbr.abs _section_cstart, $3  }
0xc6: {  	[dreg:$0x1] =	wrdreg $0xFFFFFFFF  }
0xc7: {  	_ =	task.clear_ibuf [dreg:s7], $0x2FFFF;
	_ =	strace $0x9FFFFFFF  }
0xc8: {  	(tm) =	ssettm $0x7FFFFFFF  }
0xc9: {  	_ =	shalt  }
tec
execute0_lowered:
.L_overlay_start_1:
0x0: {  	(tag) =	ssettag $0x1  }
0x1: {  	s4 =	rddreg [dreg:$0x0]  }
0x2: {  	s1 =	rddreg [dreg:$0x1]  }
0x3: {  	s0 =	rddreg [dreg:$0x2];
	s2 =	simm.s32 $0x0  }
0x4: {  	s5 =	srdreg.scid;
	s8 =	simm.s32 $0x100;
	s9 =	simm.s32 $0x4  }
0x5: {  	s10 =	simm.s32 $0x0;
	[smem:$0x7FF] =	sst s2;
	s3 =	sadd.s32 $0x103200, s4  }
0x6: {  	s4 =	sadd.s32 $0x3200, s4;
	_ =	strace $0x80000047;
	[dreg:$0x3] =	wrdreg s3  }
0x7: {  	s5 =	sand.u32 $0x1, s5;
	s3 =	stileid.u32;
	[dreg:$0x5] =	wrdreg s4  }
0x8: {  	s6 =	ssub.s32 $0x2, s5;
	s5 =	sshll.u32 s5, $0x4;
	[dreg:$0x4] =	wrdreg s8  }
0x9: {  	s8 =	simm.s32 $0x5;
	s7 =	sshrl.u32 s6, $0x1;
	s5 =	sor.u32 s3, s5  }
0xa: {  	s6 =	ssub.s32 s6, s7;
	s31 =	sshll.u32 s5, $0x8;
	s4 =	sshll.u32 s5, $0x3  }
0xb: {  	s7 =	simm.s32 $0x1;
	s5 =	sadd.s32 s1, s31;
	s6 =	smax.u32 s6, $0x1  }
.LBB2_1:
0xc: {  	_ =	strace $0x80000048;
	s11 =	simm.s32 $0x1;
	p0 =	por $0x0, $0x0  }
0xd: {  	[tilespmem:s2], [sflag:$0x1] =	stream.linear.gather [hbm4b:s5+s2], $0x100, $0x200038;
	[tilespmem:$0x10200] =	vst v63  }
0xe: {  	s11 =	simm.s32 @p0 $0x0  }
0xf: {  	p4 =	por $0x1, $0x1;
	s20 =	sand.u32 $0x1, s2;
	p1 =	sne.s32 s11, $0x0  }
0x10: {  	p2 =	por $0x1, $0x1;
	s18 =	simm.s32 $0x6;
	p0 =	por !p4, !p1  }
0x11: {  	s16 =	simm.s32 $0x0;
	p5 =	por $0x0, $0x0;
	p0 =	por !p0, !p0  }
0x12: {  	s23 =	sadd.s32 $0x0, s4;
	s30 =	sadd.s32 $0x1, s20;
	s12 =	sadd.s32 @p0 s4, s11  }
0x13: {  	_ =	strace $0x90000048;
	s13 =	sand.u32 @p0 $0x1, s7;
	s12 =	sshll.u32 @p0 s12, $0x5  }
0x14: {  	_ =	strace @p0 $0x80000049;
	s15 =	simm.s32 @p0 $0x0;
	s12 =	sand.u32 @p0 $0x1FFFFFE0, s12  }
0x15: {  	s14 =	sshll.u32 @p0 s13, $0x8;
	s13 =	sadd.s32 @p0 $0x1, s13;
	s12 =	sadd.s32 @p0 s1, s12  }
0x16: {  	[tilespmem:s14], [sflag:s13] =	stream.linear.gather @p0 [hbm4b:s12+s15], $0x100, $0x200038;
	[tilespmem:$0x10200] =	vst v63  }
0x17: {  	p3 =	por p2, p2;
	s21 =	sshll.u32 s20, $0xF;
	_ =	strace @p0 $0x90000049  }
0x18: {  	s16 =	sand.u32 $0x100, s16;
	p2 =	por p5, p5;
	_ =	strace $0x8000004A  }
0x19: {  	s17 =	sadd.s32 $0x1, s11;
	s22 =	sor.u32 $0x200, s21;
	_ =	swait.ge [sflag:s30], $0x100  }
0x1a: {  	s21 =	simm.s32 $0x1;
	p6 =	por p1, p1;
	[sflag:s30] =	ssyncset.done $0x0  }
0x1b: {  	p1 =	por p3, p3;
	p4 =	por $0x1, $0x1;
	[sflag:s30] =	ssyncadd.s32 $0xFFFFFF00  }
0x1c: {  	s12 =	simm.s32 $0x7;
	s15 =	sand.u32 @!p3 $0x1, s2;
	_ =	strace $0x9000004A  }
0x1d: {  	s13 =	simm.s32 $0x1;
	p3 =	seq.s32 s17, $0x8;
	_ =	strace $0x8000004B  }
0x1e: {  	s13 =	simm.s32 @!p0 $0x0;
	s17 =	simm.s32 @p3 $0x0;
	s19 =	rddreg [dreg:$0x4]  }
0x1f: {  	p0 =	por $0x0, $0x0;
	s14 =	sadd.s32 $0x1, s13;
	s31 =	rddreg [dreg:$0x3]  }
0x20: {  	[tilespmem:s22], [sflag:$0x5] =	stream.indirect.gather [hbm4b:s31+s19], $0x80, s16, s19, $0x2000b8;
	[tilespmem:$0x10200] =	vst v63  }
0x21: {  	p3 =	sne.s32 s11, s17;
	s21 =	simm.s32 @!p0 $0x0;
	_ =	swait.ge [sflag:s8], $0x8000  }
0x22: {  	p5 =	por !p4, !p3;
	p4 =	por $0x0, $0x0;
	[sflag:s8] =	ssyncset.done $0x0  }
0x23: {  	s13 =	simm.s32 $0x0;
	p6 =	por p4, p6;
	[sflag:s8] =	ssyncadd.s32 $0xFFFF8000  }
0x24: {  	s16 =	simm.s32 $0x0;
	s19 =	simm.s32 $0x0;
	_ =	strace $0x9000004B  }
.LBB2_2:
0x25: {  	_ =	strace @p6 $0x8000004C;
	s13 =	sadd.s32 s21, s13;
	s21 =	smov.u32 s12  }
0x26: {  	s12 =	smov.u32 s18;
	s18 =	sadd.s32 $0xFFFFFFFF, s18;
	p0 =	por p3, p3  }
0x27: {  	s28 =	sshll.u32 @p6 s23, $0xC;
	s20 =	sadd.s32 @p6 $0x3, s20;
	s24 =	simm.s32 @!p0 $0x0  }
0x28: {  	s25 =	rddreg [dreg:$0x5];
	s28 =	sand.u32 @p6 $0x1FFFF000, s28;
	s24 =	simm.s32 @p0 $0x1  }
0x29: {  	s25 =	sadd.s32 @p6 s25, s28;
	s28 =	simm.s32 @p6 $0x0;
	p0 =	sne.s32 s18, $0x0  }
0x2a: {  	[hbm4b:s25+s28] =	stream.linear.scatter @p6 [tilespmem:s22], [sflag:s20], $0x8000, $0x200038;
	[tilespmem:$0x10200] =	vst v63  }
0x2b: {  	s20 =	sadd.s32 @!p1 $0x3, s15;
	s15 =	simm.s32 @!p0 $0x0  }
0x2c: {  	s26 =	simm.s32 $0x1;
	[smem:$0x7FC] =	sst s24;
	s15 =	simm.s32 @p0 $0x1  }
0x2d: {  	s26 =	simm.s32 @!p6 $0x0;
	_ =	strace @p6 $0x9000004C;
	[smem:$0x7FD] =	sst s15  }
0x2e: {  	p5 =	por !p5, !p5;
	s19 =	sadd.s32 s26, s19;
	_ =	strace @!p1 $0x8000004D  }
0x2f: {  	s24 =	sand.u32 @!p2 $0x1, s13;
	s22 =	sand.u32 @p5 $0x1, s14;
	_ =	swait.ge @!p1 [sflag:s20], $0x8000  }
0x30: {  	s15 =	smov.u32 s24;
	s24 =	sadd.s32 @p5 s4, s17;
	[sflag:s20] =	ssyncset.done @!p1 $0x0  }
0x31: {  	s25 =	sshll.u32 @p5 s22, $0x8;
	s24 =	sshll.u32 @p5 s24, $0x5;
	[sflag:s20] =	ssyncadd.s32 @!p1 $0xFFFF8000  }
0x32: {  	s20 =	sadd.s32 @p5 $0x1, s22;
	s22 =	sand.u32 @p5 $0x1FFFFFE0, s24;
	_ =	strace @!p1 $0x9000004D  }
0x33: {  	s24 =	simm.s32 @p5 $0x0;
	s22 =	sadd.s32 @p5 s1, s22;
	_ =	strace @p5 $0x80000049  }
0x34: {  	[tilespmem:s25], [sflag:s20] =	stream.linear.gather @p5 [hbm4b:s22+s24], $0x100, $0x200038;
	[tilespmem:$0x10200] =	vst v63  }
0x35: {  	s16 =	sadd.s32 s26, s16;
	s26 =	sand.u32 $0x1, s19;
	_ =	strace @p5 $0x90000049  }
0x36: {  	s24 =	sadd.s32 $0x1, s26;
	_ =	strace $0x8000004A  }
0x37: {  	_ =	swait.ge [sflag:s24], $0x100  }
0x38: {  	[sflag:s24] =	ssyncset.done $0x0  }
0x39: {  	s20 =	simm.s32 $0x1;
	[sflag:s24] =	ssyncadd.s32 $0xFFFFFF00  }
0x3a: {  	s20 =	simm.s32 @!p5 $0x0;
	_ =	strace $0x9000004A  }
0x3b: {  	s14 =	sadd.s32 s20, s14;
	s20 =	sand.u32 $0x1, s16;
	_ =	strace $0x8000004B  }
0x3c: {  	s29 =	sshll.u32 s19, $0x8;
	s25 =	sshll.u32 s20, $0xF;
	s26 =	rddreg [dreg:$0x4]  }
0x3d: {  	s29 =	sand.u32 $0x100, s29;
	s22 =	sor.u32 $0x200, s25;
	s30 =	rddreg [dreg:$0x3]  }
0x3e: {  	[tilespmem:s22], [sflag:$0x5] =	stream.indirect.gather [hbm4b:s30+s26], $0x80, s29, s26, $0x2000b8;
	[tilespmem:$0x10200] =	vst v63  }
0x3f: {  	_ =	swait.ge [sflag:s8], $0x8000  }
0x40: {  	s31 =	sadd.s32 $0x1, s17;
	[sflag:s8] =	ssyncset.done $0x0  }
0x41: {  	s23 =	sadd.s32 s4, s11;
	s11 =	smov.u32 s17;
	[sflag:s8] =	ssyncadd.s32 $0xFFFF8000  }
0x42: {  	p3 =	seq.s32 s31, $0x8;
	s17 =	smov.u32 s31;
	_ =	strace $0x9000004B  }
0x43: {  	s17 =	simm.s32 @p3 $0x0;
	s31 =	sld [smem:$0x7FD]  }
0x44: {  	p6 =	sne.s32 s12, $0x1;
	p0 =	sne.s32 s21, $0x8;
	p3 =	sne.s32 s11, s17  }
0x45: {  	p5 =	por !p6, !p3;
	p6 =	seq.s32 s21, $0x1;
	s21 =	simm.s32 $0x1  }
0x46: {  	s21 =	simm.s32 @!p0 $0x0;
	p0 =	seq.s32 s31, $0x1  }
.Ltmp0:
0x47: {  	s30 =	sld [smem:$0x7FC];
	(pc) =	sbr.rel @p0 .LBB2_2-.Ltmp0, $4  }
0x48: {  	_ = 	snop  }
0x49: {  	p4 =	seq.s32 s12, $0x8  }
0x4a: {  	p1 =	por p2, p2;
	p2 =	por p4, p4;
	p4 =	seq.s32 s30, $0x1  }
0x4b: {  	p6 =	por p6, p4  }
0x4c: {  	_ =	strace @p6 $0x8000004C;
	s23 =	sshll.u32 @p6 s23, $0xC  }
0x4d: {  	s18 =	rddreg [dreg:$0x5];
	s23 =	sand.u32 @p6 $0x1FFFF000, s23  }
0x4e: {  	s20 =	sadd.s32 @p6 $0x3, s20;
	s18 =	sadd.s32 @p6 s18, s23;
	s23 =	simm.s32 @p6 $0x0  }
0x4f: {  	[hbm4b:s18+s23] =	stream.linear.scatter @p6 [tilespmem:s22], [sflag:s20], $0x8000, $0x200038;
	[tilespmem:$0x10200] =	vst v63  }
0x50: {  	p0 =	por !p5, !p5;
	_ =	strace @p6 $0x9000004C  }
0x51: {  	s15 =	sadd.s32 @!p1 $0x3, s15;
	s17 =	sadd.s32 @p0 s4, s17;
	_ =	strace @!p1 $0x8000004D  }
0x52: {  	s14 =	sand.u32 @p0 $0x1, s14;
	s17 =	sshll.u32 @p0 s17, $0x5;
	_ =	swait.ge @!p1 [sflag:s15], $0x8000  }
0x53: {  	s18 =	simm.s32 $0x1;
	s20 =	sshll.u32 @p0 s14, $0x8;
	[sflag:s15] =	ssyncset.done @!p1 $0x0  }
0x54: {  	s14 =	sadd.s32 @p0 $0x1, s14;
	s18 =	simm.s32 @!p6 $0x0;
	[sflag:s15] =	ssyncadd.s32 @!p1 $0xFFFF8000  }
0x55: {  	s19 =	sadd.s32 s18, s19;
	s15 =	sand.u32 @p0 $0x1FFFFFE0, s17;
	_ =	strace @!p1 $0x9000004D  }
0x56: {  	s17 =	simm.s32 @p0 $0x0;
	s15 =	sadd.s32 @p0 s1, s15;
	_ =	strace @p0 $0x80000049  }
0x57: {  	[tilespmem:s20], [sflag:s14] =	stream.linear.gather @p0 [hbm4b:s15+s17], $0x100, $0x200038;
	[tilespmem:$0x10200] =	vst v63  }
0x58: {  	s25 =	sand.u32 $0x1, s19;
	_ =	strace @p0 $0x90000049  }
0x59: {  	s14 =	sadd.s32 $0x1, s25;
	_ =	strace $0x8000004A  }
0x5a: {  	_ =	swait.ge [sflag:s14], $0x100  }
0x5b: {  	[sflag:s14] =	ssyncset.done $0x0  }
0x5c: {  	[sflag:s14] =	ssyncadd.s32 $0xFFFFFF00  }
0x5d: {  	s26 =	sadd.s32 s18, s16;
	_ =	strace $0x9000004A  }
0x5e: {  	s14 =	sand.u32 $0x1, s26;
	_ =	strace $0x8000004B  }
0x5f: {  	s30 =	sshll.u32 s19, $0x8;
	s31 =	sshll.u32 s14, $0xF;
	s28 =	rddreg [dreg:$0x4]  }
0x60: {  	s17 =	sand.u32 $0x100, s30;
	s18 =	sor.u32 $0x200, s31;
	s29 =	rddreg [dreg:$0x3]  }
0x61: {  	[tilespmem:s18], [sflag:$0x5] =	stream.indirect.gather [hbm4b:s29+s28], $0x80, s17, s28, $0x2000b8;
	[tilespmem:$0x10200] =	vst v63  }
0x62: {  	_ =	swait.ge [sflag:s8], $0x8000  }
0x63: {  	[sflag:s8] =	ssyncset.done $0x0  }
0x64: {  	p5 =	por p3, p3;
	p6 =	seq.s32 s12, $0x1;
	[sflag:s8] =	ssyncadd.s32 $0xFFFF8000  }
0x65: {  	s11 =	sadd.s32 s4, s11;
	p0 =	por p6, p5;
	_ =	strace $0x9000004B  }
0x66: {  	s11 =	sshll.u32 @p0 s11, $0xC;
	_ =	strace @p0 $0x8000004C  }
0x67: {  	s13 =	sadd.s32 s21, s13;
	s11 =	sand.u32 @p0 $0x1FFFF000, s11;
	s12 =	rddreg [dreg:$0x5]  }
0x68: {  	s14 =	sadd.s32 @p0 $0x3, s14;
	s11 =	sadd.s32 @p0 s12, s11;
	s12 =	simm.s32 @p0 $0x0  }
0x69: {  	[hbm4b:s11+s12] =	stream.linear.scatter @p0 [tilespmem:s18], [sflag:s14], $0x8000, $0x200038;
	[tilespmem:$0x10200] =	vst v63  }
0x6a: {  	p1 =	por p2, p2;
	s11 =	sand.u32 @!p2 $0x1, s13;
	_ =	strace @p0 $0x9000004C  }
0x6b: {  	s11 =	sadd.s32 @!p1 $0x3, s11;
	_ =	strace @!p1 $0x8000004D  }
0x6c: {  	_ =	swait.ge @!p1 [sflag:s11], $0x8000  }
0x6d: {  	[sflag:s11] =	ssyncset.done @!p1 $0x0  }
0x6e: {  	s10 =	sadd.s32 $0x1, s10;
	[sflag:s11] =	ssyncadd.s32 @!p1 $0xFFFF8000  }
0x6f: {  	p0 =	sne.s32 s10, s6;
	_ =	strace @!p1 $0x9000004D  }
.Ltmp1:
0x70: {  	_ =	strace $0x8000004E;
	(pc) =	sbr.rel @p0 .LBB2_1-.Ltmp1, $4  }
0x71: {  	_ =	swait.ge [sflag:s9], $0x8000  }
0x72: {  	[sflag:s9] =	ssyncset.done $0x0  }
0x73: {  	[sflag:s9] =	ssyncadd.s32 $0xFFFF8000  }
0x74: {  	_ =	strace $0x9000004E  }
0x75: {  	_ =	sfence.sel $0x180000  }
0x76: {  	[bflag:$0x0] =	sbarrier.arrive $0xFFFF  }
0x77: {  	p0 =	sne.s32 s3, $0x0;
	_ =	strace $0x90000047  }
0x78: {  	s0 =	sadd.s32 @!p0 $0x100000, s0;
	[bflag:$0x2] =	sbarrier.arrive $0xFFFF  }
0x79: {  	[sflag:s0] =	ssyncadd.tile.s32 @!p0 $0x1;
	_ =	shalt  }
.Lfunc_end2:
_tile_overlayer_lowered:
.L_overlay_start_2:
0x7a: {  	(tag) =	ssettag $0x2  }
0x7b: {  	s0 =	rddreg [dreg:$0x0];
	s2 =	stileid.u32  }
0x7c: {  	s1 =	rddreg [dreg:$0x1];
	p0 =	sne.s32 s2, $0x0  }
0x7d: {  	s3 =	rddreg [dreg:$0x2];
	[bflag:$0x3] =	sbarrier.arrive $0xFFFF;
	s2 =	simm.s32 @!p0 $0x1C01  }
0x7e: {  	[timem:s3], [sflag:s2] =	dma.local @!p0 [hbm:s0], s1  }
0x7f: {  	s0 =	simm.s32 @!p0 $0x1  }
0x80: {  	_ =	swait.ge @!p0 [sflag:s0], s1  }
0x81: {  	s1 =	ssub.s32 @!p0 $0x0, s1;
	[sflag:s0] =	ssyncset.done @!p0 $0x0  }
0x82: {  	[sflag:s0] =	ssyncadd.s32 @!p0 s1  }
0x83: {  	[bflag:$0x3] =	sbarrier.arrive $0xFFFF  }
0x84: {  	_ =	shalt  }

// kernel: kernel.9.cloned.1.call-start
scs
__scs_entry_jumppad:
0x0: {  	(pc) =	sbr.rel $0x88, $3  }
0x1: {  	(tag) =	ssettag $0x0;
	lr =	simm.s32 $0x1  }
0x2: {  	[smem:$0x3F99] =	sst lr;
	_ =	strace $0xD0000000  }
0x3: {  	_ = 	snop  }
0x4: {  	_ = 	snop  }
0x5: {  	_ = 	snop  }
0x6: {  	_ = 	snop  }
0x7: {  	_ = 	snop  }
__scs_overlays_trampoline_lowered:
0x8: {  	[smem:$0x3FA8] =	sst s0  }
0x9: {  	[smem:$0x3FA9] =	sst s1  }
0xa: {  	[smem:$0x3FAA] =	sst s2  }
0xb: {  	[smem:$0x3FAB] =	sst s3  }
0xc: {  	[smem:$0x3FAC] =	sst s4  }
0xd: {  	[smem:$0x3FAD] =	sst s5  }
0xe: {  	[smem:$0x3FAE] =	sst s6  }
0xf: {  	[smem:$0x3FAF] =	sst s7  }
0x10: {  	[smem:$0x3FB0] =	sst s8  }
0x11: {  	[smem:$0x3FB1] =	sst s9;
	s0 =	simm.s32 @!p0 $0x0  }
0x12: {  	s1 =	sld [smem:$0x3F97];
	s0 =	simm.s32 @p0 $0x1  }
0x13: {  	[smem:$0x3FB2] =	sst s0;
	s0 =	simm.s32 @!p1 $0x0  }
0x14: {  	s2 =	sld [smem:$0x3F96];
	s0 =	simm.s32 @p1 $0x1  }
0x15: {  	[smem:$0x3FB3] =	sst s0;
	s0 =	simm.s32 @!p2 $0x0  }
0x16: {  	s3 =	sld [smem:$0x3FDB];
	s0 =	simm.s32 @p2 $0x1  }
0x17: {  	s4 =	simm.s32 $0x1BF5;
	[smem:$0x3FB5] =	sst s0  }
0x18: {  	s0 =	sld [smem:$0x3F98];
	_ =	swait.ge [sflag:s4], $0x0  }
0x19: {  	s7 =	sld [smem:$0x3F99]  }
0x1a: {  	s8 =	sadd.s32 $0xFFFFE003, lr  }
0x1b: {  	s9 =	sadd.s32 $0xFFFFFEF7, lr;
	s5 =	simm.s32 $0xFFFFFFFF;
	p2 =	slt.u32 s8, $0xFFFFF086  }
0x1c: {  	p1 =	slt.u32 s9, $0xF7A;
	s5 =	simm.s32 @!p2 $0x0  }
0x1d: {  	s5 =	simm.s32 @p1 $0x1;
	p0 =	seq.s32 s7, s2  }
0x1e: {  	s7 =	smul.u32 @!p0 $0xF7A, s2;
	p2 =	seq.s32 @!p0 s5, $0x0  }
0x1f: {  	s9 =	smul.u32 $0xF7A, s1;
	s8 =	simm.s32 @!p0 $0x1BF5;
	p2 =	por !p2, p0  }
0x20: {  	[sflag:s8] =	ssyncset.s32 @!p0 $0xFFFFF086;
	s6 =	sadd.s32 @!p0 s3, s7;
	s7 =	simm.s32 @!p0 $0x108  }
0x21: {  	s3 =	sadd.s32 s3, s9;
	s6 =	sadd.s32 @!p0 $0x88, s6;
	s7 =	simm.s32 @p2 $0x1082  }
0x22: {  	[simem:s7], [sflag:s8] =	dma.local @!p0 [hbm:s6], $0xF7A  }
0x23: {  	s9 =	sor.u32 $0xD0000000, s2;
	s6 =	simm.s32 $0x108;
	_ =	swait.ge @!p0 [sflag:s8], $0x0  }
0x24: {  	s3 =	sadd.s32 $0x88, s3;
	s6 =	simm.s32 @!p1 $0x1082;
	[sflag:s4] =	ssyncset.s32 $0xFFFFF086  }
0x25: {  	[simem:s6], [sflag:s4] =	dma.local [hbm:s3], $0xF7A  }
0x26: {  	[smem:$0x3F99] =	sst s1;
	(tag) =	ssettag s2;
	_ =	strace s9  }
0x27: {  	s1 =	sld [smem:$0x3FA9]  }
0x28: {  	s2 =	sld [smem:$0x3FAA]  }
0x29: {  	s4 =	sld [smem:$0x3FAC]  }
0x2a: {  	p0 =	seq.s32 s5, $0x0;
	s5 =	sld [smem:$0x3FAD]  }
0x2b: {  	s6 =	sld [smem:$0x3FAE]  }
0x2c: {  	s7 =	sld [smem:$0x3FAF]  }
0x2d: {  	s3 =	simm.s32 $0x108;
	s8 =	sld [smem:$0x3FB0]  }
0x2e: {  	s3 =	simm.s32 @!p0 $0x1082;
	s9 =	sld [smem:$0x3FB1]  }
0x2f: {  	lr =	sadd.s32 s0, s3;
	s0 =	sld [smem:$0x3FA8]  }
0x30: {  	s3 =	sld [smem:$0x3FAB]  }
0x31: {  	[smem:$0x3FB4] =	sst s10  }
0x32: {  	s10 =	sld [smem:$0x3FB2];
	_ =	sdelay $0x3  }
0x33: {  	p0 =	seq.s32 s10, $0x1;
	s10 =	sld [smem:$0x3FB4];
	_ =	sdelay $0x3  }
0x34: {  	[smem:$0x3FB4] =	sst s10  }
0x35: {  	s10 =	sld [smem:$0x3FB3];
	_ =	sdelay $0x3  }
0x36: {  	p1 =	seq.s32 s10, $0x1;
	s10 =	sld [smem:$0x3FB4];
	_ =	sdelay $0x3  }
0x37: {  	[smem:$0x3FB4] =	sst s10  }
0x38: {  	s10 =	sld [smem:$0x3FB5]  }
0x39: {  	_ = 	snop;
	(pc) =	sbr.ind lr, $3  }
0x3a: {  	_ = 	snop  }
0x3b: {  	_ = 	snop  }
0x3c: {  	p2 =	seq.s32 s10, $0x1;
	s10 =	sld [smem:$0x3FB4]  }
0x3d: {  	_ =	shalt  }
0x3e: {  	_ =	shalt  }
0x3f: {  	_ =	shalt  }
0x40: {  	_ =	shalt  }
0x41: {  	_ =	shalt  }
0x42: {  	_ =	shalt  }
0x43: {  	_ =	shalt  }
0x44: {  	_ =	shalt  }
0x45: {  	_ =	shalt  }
0x46: {  	_ =	shalt  }
0x47: {  	_ =	shalt  }
0x48: {  	_ =	shalt  }
0x49: {  	_ =	shalt  }
0x4a: {  	_ =	shalt  }
0x4b: {  	_ =	shalt  }
0x4c: {  	_ =	shalt  }
0x4d: {  	_ =	shalt  }
0x4e: {  	_ =	shalt  }
0x4f: {  	_ =	shalt  }
0x50: {  	_ =	shalt  }
0x51: {  	_ =	shalt  }
0x52: {  	_ =	shalt  }
0x53: {  	_ =	shalt  }
0x54: {  	_ =	shalt  }
0x55: {  	_ =	shalt  }
0x56: {  	_ =	shalt  }
0x57: {  	_ =	shalt  }
0x58: {  	_ =	shalt  }
0x59: {  	_ =	shalt  }
0x5a: {  	_ =	shalt  }
0x5b: {  	_ =	shalt  }
0x5c: {  	_ =	shalt  }
0x5d: {  	_ =	shalt  }
0x5e: {  	_ =	shalt  }
0x5f: {  	_ =	shalt  }
0x60: {  	_ =	shalt  }
0x61: {  	_ =	shalt  }
0x62: {  	_ =	shalt  }
0x63: {  	_ =	shalt  }
0x64: {  	_ =	shalt  }
0x65: {  	_ =	shalt  }
0x66: {  	_ =	shalt  }
0x67: {  	_ =	shalt  }
0x68: {  	_ =	shalt  }
0x69: {  	_ =	shalt  }
0x6a: {  	_ =	shalt  }
0x6b: {  	_ =	shalt  }
0x6c: {  	_ =	shalt  }
0x6d: {  	_ =	shalt  }
0x6e: {  	_ =	shalt  }
0x6f: {  	_ =	shalt  }
0x70: {  	_ =	shalt  }
0x71: {  	_ =	shalt  }
0x72: {  	_ =	shalt  }
0x73: {  	_ =	shalt  }
0x74: {  	_ =	shalt  }
0x75: {  	_ =	shalt  }
0x76: {  	_ =	shalt  }
0x77: {  	_ =	shalt  }
0x78: {  	_ =	shalt  }
0x79: {  	_ =	shalt  }
0x7a: {  	_ =	shalt  }
0x7b: {  	_ =	shalt  }
0x7c: {  	_ =	shalt  }
0x7d: {  	_ =	shalt  }
0x7e: {  	_ =	shalt  }
0x7f: {  	_ =	shalt  }
0x80: {  	_ =	shalt  }
0x81: {  	_ =	shalt  }
0x82: {  	_ =	shalt  }
0x83: {  	_ =	shalt  }
0x84: {  	_ =	shalt  }
0x85: {  	_ =	shalt  }
0x86: {  	_ =	shalt  }
0x87: {  	_ =	shalt  }
.Lfunc_end0:
.L_simem_size_0:
called_computation_lowered:
.L_overlay_start_0:
0x88: {  	s2 =	sld [smem:$0x3FD9]  }
0x89: {  	s3 =	sld [smem:$0x3FFE];
	_ =	sdelay $0x1  }
0x8a: {  	s1 =	srdreg.scid  }
0x8b: {  	s0 =	sand.u32 $0x1, s1  }
0x8c: {  	s17 =	sshll.u32 s0, $0xA;
	s2 =	sadd.s32 s3, s2  }
0x8d: {  	s2 =	sadd.s32 s2, s17  }
0x8e: {  	[smem:$0x3FC0] =	sst s2  }
0x8f: {  	_ = 	snop  }
0x90: {  	(tm) =	ssettm $0x1  }
0x91: {  	s18 =	sld [smem:$0x3FFB];
	_ =	sdelay $0x3  }
0x92: {  	_ =	strace s18  }
0x93: {  	s2 =	sld [smem:$0x3FFC];
	_ =	sdelay $0x3  }
0x94: {  	_ =	strace s2  }
0x95: {  	s2 =	sld [smem:$0x3FFD];
	_ =	sdelay $0x3  }
0x96: {  	_ =	strace s2  }
0x97: {  	_ =	strace $0x8FFFFFFF  }
0x98: {  	s19 =	sld [smem:$0x3FDB];
	_ =	sdelay $0x1  }
0x99: {  	s20 =	simm.s32 $_scs_section_size  }
0x9a: {  	s4 =	simm.s32 $_size__tile_overlayer_lowered;
	s5 =	simm.s32 $_tile_overlayer_lowered  }
0x9b: {  	s6 =	simm.s32 $0x1BFF;
	s21 =	sshll.u32 s5, $0x1;
	s3 =	sadd.s32 s20, s19  }
0x9c: {  	s22 =	simm.s32 $0x0;
	s4 =	sshll.u32 s4, $0x1;
	s5 =	sadd.s32 s21, s3  }
0x9d: {  	[timem:s22], [sflag:s6] =	dma.local [hbm:s5], s4  }
0x9e: {  	_ =	swait.ge [sflag:s6], s4  }
0x9f: {  	s4 =	ssub.s32 $0x0, s4;
	[sflag:s6] =	ssyncset.done $0x0  }
0xa0: {  	[sflag:s6] =	ssyncadd.s32 s4;
	_ =	sdelay $0x1  }
0xa1: {  	s23 =	simm.s32 $0x1B8B  }
0xa2: {  	_ =	swait.ge [sflag:s23], $0x1  }
0xa3: {  	[sflag:s23] =	ssyncset.done $0x0  }
0xa4: {  	[sflag:s23] =	ssyncadd.s32 $0xFFFFFFFF  }
0xa5: {  	s4 =	sld [smem:$0x0]  }
0xa6: {  	s5 =	sand.u32 $0xFFFFFFFE, s1  }
0xa7: {  	p0 =	sne.s32 s1, s5  }
0xa8: {  	s5 =	sshll.u32 @p0 s5, $0xE  }
0xa9: {  	s5 =	sadd.s32 @p0 $0x11B8D, s5;
	s6 =	sshll.u32 @p0 s4, $0x11  }
0xaa: {  	s5 =	sor.u32 @p0 s6, s5  }
0xab: {  	[sflag:s5] =	ssyncadd.remote.s32 @p0 $0x1;
	_ =	sdelay $0x1  }
0xac: {  	s5 =	simm.s32 @p0 $0x1B8D  }
0xad: {  	_ =	swait.eq @p0 [sflag:s5], $0x1  }
0xae: {  	[sflag:s5] =	ssyncadd.s32 @p0 $0xFFFFFFFF  }
0xaf: {  	s6 =	sshll.u32 @!p0 s1, $0xE  }
0xb0: {  	s6 =	sor.u32 @!p0 $0x4000, s6;
	s5 =	simm.s32 @!p0 $0x1B8D  }
0xb1: {  	s4 =	sshll.u32 @!p0 s4, $0x11;
	s6 =	sadd.s32 @!p0 $0x11B8D, s6;
	_ =	swait.eq @!p0 [sflag:s5], $0x1  }
0xb2: {  	s4 =	sor.u32 @!p0 s4, s6;
	[sflag:s5] =	ssyncadd.s32 @!p0 $0xFFFFFFFF  }
0xb3: {  	s25 =	simm.s32 $0x1B8E;
	s24 =	sld [smem:$0x3FFE];
	[sflag:s4] =	ssyncadd.remote.s32 @!p0 $0x1  }
0xb4: {  	s26 =	simm.s32 $execute0_lowered;
	[smem:$0x3FD2] =	sst s25  }
0xb5: {  	s5 =	sshll.u32 s26, $0x1;
	_ =	strace $0x80000050;
	[dreg:$0x1] =	wrdreg $0xFFFFFFFF  }
0xb6: {  	s28 =	simm.s32 $_size_execute0_lowered;
	s3 =	sadd.s32 s3, s5;
	[dreg:$0x0] =	wrdreg $0x0  }
0xb7: {  	s5 =	sshll.u32 s28, $0x1;
	[dreg:$0x2] =	wrdreg s3  }
0xb8: {  	[dreg:$0x3] =	wrdreg s5  }
0xb9: {  	[dreg:$0x4] =	wrdreg $0xC0  }
0xba: {  	_ =	task [dreg:s22], $0x5FFFF  }
0xbb: {  	[dreg:$0x1] =	wrdreg $0xFFFFFFFF  }
0xbc: {  	[dreg:$0x0] =	wrdreg $0x60  }
0xbd: {  	[dreg:$0x2] =	wrdreg s24  }
0xbe: {  	[dreg:$0x3] =	wrdreg $0x9  }
0xbf: {  	_ =	task.clear_ibuf [dreg:s22], $0x4FFFF;
	_ =	strace $0x90000050  }
0xc0: {  	s29 =	simm.s32 $0x9;
	_ =	strace $0x80000059  }
0xc1: {  	_ =	swait.ge [sflag:s29], $0x1  }
0xc2: {  	[sflag:s29] =	ssyncadd.s32 $0xFFFFFFFF  }
0xc3: {  	_ =	strace $0x90000059  }
0xc4: {  	_ =	sfence  }
0xc5: {  	s30 =	sld [smem:$0x0];
	_ =	sdelay $0x2  }
0xc6: {  	s31 =	sshll.u32 s1, $0xD;
	s1 =	sshrl.u32 s1, $0x2  }
0xc7: {  	s4 =	sand.u32 $0x4000, s31;
	s1 =	sadd.s32 s1, s30  }
0xc8: {  	s0 =	sor.u32 s4, s0;
	s1 =	sshll.u32 s1, $0x11  }
0xc9: {  	s0 =	sor.u32 s1, s0  }
0xca: {  	s0 =	sadd.s32 $0x8F2B, s0  }
0xcb: {  	[sflag:s0] =	ssyncadd.remote.s32 $0x1  }
0xcc: {  	_ =	sfence.sel $0xFFFF  }
0xcd: {  	[dreg:$0x0] =	wrdreg $0xFFFFFFFF;
	(pc) =	sbr.abs _section_cstart, $3  }
0xce: {  	[dreg:$0x1] =	wrdreg $0xFFFFFFFF  }
0xcf: {  	_ =	task.clear_ibuf [dreg:s22], $0x2FFFF;
	_ =	strace $0x9FFFFFFF  }
0xd0: {  	(tm) =	ssettm $0x7FFFFFFF  }
0xd1: {  	_ =	shalt  }
tec
execute0_lowered:
.L_overlay_start_1:
0x0: {  	(tag) =	ssettag $0x1  }
0x1: {  	s4 =	rddreg [dreg:$0x0]  }
0x2: {  	s0 =	rddreg [dreg:$0x1];
	s1 =	simm.s32 $0x0;
	s5 =	srdreg.scid  }
0x3: {  	s8 =	simm.s32 $0x100;
	s9 =	simm.s32 $0x4;
	[smem:$0x7FF] =	sst s1  }
0x4: {  	s10 =	simm.s32 $0x0;
	s2 =	sadd.s32 $0x103200, s4;
	s3 =	sadd.s32 $0x183200, s4  }
0x5: {  	s4 =	sadd.s32 $0x185200, s4;
	_ =	strace $0x80000051;
	[dreg:$0x2] =	wrdreg s2  }
0x6: {  	s5 =	sand.u32 $0x1, s5;
	s2 =	stileid.u32;
	[dreg:$0x4] =	wrdreg s4  }
0x7: {  	s6 =	ssub.s32 $0x2, s5;
	s5 =	sshll.u32 s5, $0x4;
	[dreg:$0x3] =	wrdreg s8  }
0x8: {  	s8 =	simm.s32 $0x5;
	s7 =	sshrl.u32 s6, $0x1;
	s5 =	sor.u32 s2, s5  }
0x9: {  	s6 =	ssub.s32 s6, s7;
	s31 =	sshll.u32 s5, $0x8;
	s4 =	sshll.u32 s5, $0x3  }
0xa: {  	s7 =	simm.s32 $0x1;
	s5 =	sadd.s32 s3, s31;
	s6 =	smax.u32 s6, $0x1  }
.LBB2_1:
0xb: {  	_ =	strace $0x80000052;
	s11 =	simm.s32 $0x1;
	p0 =	por $0x0, $0x0  }
0xc: {  	[tilespmem:s1], [sflag:$0x1] =	stream.linear.gather [hbm4b:s5+s1], $0x100, $0x200038;
	[tilespmem:$0x10200] =	vst v63  }
0xd: {  	s11 =	simm.s32 @p0 $0x0  }
0xe: {  	p4 =	por $0x1, $0x1;
	s20 =	sand.u32 $0x1, s1;
	p1 =	sne.s32 s11, $0x0  }
0xf: {  	p2 =	por $0x1, $0x1;
	s18 =	simm.s32 $0x6;
	p0 =	por !p4, !p1  }
0x10: {  	s16 =	simm.s32 $0x0;
	p5 =	por $0x0, $0x0;
	p0 =	por !p0, !p0  }
0x11: {  	s23 =	sadd.s32 $0x0, s4;
	s30 =	sadd.s32 $0x1, s20;
	s12 =	sadd.s32 @p0 s4, s11  }
0x12: {  	_ =	strace $0x90000052;
	s13 =	sand.u32 @p0 $0x1, s7;
	s12 =	sshll.u32 @p0 s12, $0x5  }
0x13: {  	_ =	strace @p0 $0x80000053;
	s15 =	simm.s32 @p0 $0x0;
	s12 =	sand.u32 @p0 $0x1FFFFFE0, s12  }
0x14: {  	s14 =	sshll.u32 @p0 s13, $0x8;
	s13 =	sadd.s32 @p0 $0x1, s13;
	s12 =	sadd.s32 @p0 s3, s12  }
0x15: {  	[tilespmem:s14], [sflag:s13] =	stream.linear.gather @p0 [hbm4b:s12+s15], $0x100, $0x200038;
	[tilespmem:$0x10200] =	vst v63  }
0x16: {  	p3 =	por p2, p2;
	s21 =	sshll.u32 s20, $0xF;
	_ =	strace @p0 $0x90000053  }
0x17: {  	s16 =	sand.u32 $0x100, s16;
	p2 =	por p5, p5;
	_ =	strace $0x80000054  }
0x18: {  	s17 =	sadd.s32 $0x1, s11;
	s22 =	sor.u32 $0x200, s21;
	_ =	swait.ge [sflag:s30], $0x100  }
0x19: {  	s21 =	simm.s32 $0x1;
	p6 =	por p1, p1;
	[sflag:s30] =	ssyncset.done $0x0  }
0x1a: {  	p1 =	por p3, p3;
	p4 =	por $0x1, $0x1;
	[sflag:s30] =	ssyncadd.s32 $0xFFFFFF00  }
0x1b: {  	s12 =	simm.s32 $0x7;
	s15 =	sand.u32 @!p3 $0x1, s1;
	_ =	strace $0x90000054  }
0x1c: {  	s13 =	simm.s32 $0x1;
	p3 =	seq.s32 s17, $0x8;
	_ =	strace $0x80000055  }
0x1d: {  	s13 =	simm.s32 @!p0 $0x0;
	s17 =	simm.s32 @p3 $0x0;
	s19 =	rddreg [dreg:$0x3]  }
0x1e: {  	p0 =	por $0x0, $0x0;
	s14 =	sadd.s32 $0x1, s13;
	s31 =	rddreg [dreg:$0x2]  }
0x1f: {  	[tilespmem:s22], [sflag:$0x5] =	stream.indirect.gather [hbm4b:s31+s19], $0x80, s16, s19, $0x2000b8;
	[tilespmem:$0x10200] =	vst v63  }
0x20: {  	p3 =	sne.s32 s11, s17;
	s21 =	simm.s32 @!p0 $0x0;
	_ =	swait.ge [sflag:s8], $0x8000  }
0x21: {  	p5 =	por !p4, !p3;
	p4 =	por $0x0, $0x0;
	[sflag:s8] =	ssyncset.done $0x0  }
0x22: {  	s13 =	simm.s32 $0x0;
	p6 =	por p4, p6;
	[sflag:s8] =	ssyncadd.s32 $0xFFFF8000  }
0x23: {  	s16 =	simm.s32 $0x0;
	s19 =	simm.s32 $0x0;
	_ =	strace $0x90000055  }
.LBB2_2:
0x24: {  	_ =	strace @p6 $0x80000056;
	s13 =	sadd.s32 s21, s13;
	s21 =	smov.u32 s12  }
0x25: {  	s12 =	smov.u32 s18;
	s18 =	sadd.s32 $0xFFFFFFFF, s18;
	p0 =	por p3, p3  }
0x26: {  	s28 =	sshll.u32 @p6 s23, $0xC;
	s20 =	sadd.s32 @p6 $0x3, s20;
	s24 =	simm.s32 @!p0 $0x0  }
0x27: {  	s25 =	rddreg [dreg:$0x4];
	s28 =	sand.u32 @p6 $0x1FFFF000, s28;
	s24 =	simm.s32 @p0 $0x1  }
0x28: {  	s25 =	sadd.s32 @p6 s25, s28;
	s28 =	simm.s32 @p6 $0x0;
	p0 =	sne.s32 s18, $0x0  }
0x29: {  	[hbm4b:s25+s28] =	stream.linear.scatter @p6 [tilespmem:s22], [sflag:s20], $0x8000, $0x200038;
	[tilespmem:$0x10200] =	vst v63  }
0x2a: {  	s20 =	sadd.s32 @!p1 $0x3, s15;
	s15 =	simm.s32 @!p0 $0x0  }
0x2b: {  	s26 =	simm.s32 $0x1;
	[smem:$0x7FC] =	sst s24;
	s15 =	simm.s32 @p0 $0x1  }
0x2c: {  	s26 =	simm.s32 @!p6 $0x0;
	_ =	strace @p6 $0x90000056;
	[smem:$0x7FD] =	sst s15  }
0x2d: {  	p5 =	por !p5, !p5;
	s19 =	sadd.s32 s26, s19;
	_ =	strace @!p1 $0x80000057  }
0x2e: {  	s24 =	sand.u32 @!p2 $0x1, s13;
	s22 =	sand.u32 @p5 $0x1, s14;
	_ =	swait.ge @!p1 [sflag:s20], $0x8000  }
0x2f: {  	s15 =	smov.u32 s24;
	s24 =	sadd.s32 @p5 s4, s17;
	[sflag:s20] =	ssyncset.done @!p1 $0x0  }
0x30: {  	s25 =	sshll.u32 @p5 s22, $0x8;
	s24 =	sshll.u32 @p5 s24, $0x5;
	[sflag:s20] =	ssyncadd.s32 @!p1 $0xFFFF8000  }
0x31: {  	s20 =	sadd.s32 @p5 $0x1, s22;
	s22 =	sand.u32 @p5 $0x1FFFFFE0, s24;
	_ =	strace @!p1 $0x90000057  }
0x32: {  	s24 =	simm.s32 @p5 $0x0;
	s22 =	sadd.s32 @p5 s3, s22;
	_ =	strace @p5 $0x80000053  }
0x33: {  	[tilespmem:s25], [sflag:s20] =	stream.linear.gather @p5 [hbm4b:s22+s24], $0x100, $0x200038;
	[tilespmem:$0x10200] =	vst v63  }
0x34: {  	s16 =	sadd.s32 s26, s16;
	s26 =	sand.u32 $0x1, s19;
	_ =	strace @p5 $0x90000053  }
0x35: {  	s24 =	sadd.s32 $0x1, s26;
	_ =	strace $0x80000054  }
0x36: {  	_ =	swait.ge [sflag:s24], $0x100  }
0x37: {  	[sflag:s24] =	ssyncset.done $0x0  }
0x38: {  	s20 =	simm.s32 $0x1;
	[sflag:s24] =	ssyncadd.s32 $0xFFFFFF00  }
0x39: {  	s20 =	simm.s32 @!p5 $0x0;
	_ =	strace $0x90000054  }
0x3a: {  	s14 =	sadd.s32 s20, s14;
	s20 =	sand.u32 $0x1, s16;
	_ =	strace $0x80000055  }
0x3b: {  	s29 =	sshll.u32 s19, $0x8;
	s25 =	sshll.u32 s20, $0xF;
	s26 =	rddreg [dreg:$0x3]  }
0x3c: {  	s29 =	sand.u32 $0x100, s29;
	s22 =	sor.u32 $0x200, s25;
	s30 =	rddreg [dreg:$0x2]  }
0x3d: {  	[tilespmem:s22], [sflag:$0x5] =	stream.indirect.gather [hbm4b:s30+s26], $0x80, s29, s26, $0x2000b8;
	[tilespmem:$0x10200] =	vst v63  }
0x3e: {  	_ =	swait.ge [sflag:s8], $0x8000  }
0x3f: {  	s31 =	sadd.s32 $0x1, s17;
	[sflag:s8] =	ssyncset.done $0x0  }
0x40: {  	s23 =	sadd.s32 s4, s11;
	s11 =	smov.u32 s17;
	[sflag:s8] =	ssyncadd.s32 $0xFFFF8000  }
0x41: {  	p3 =	seq.s32 s31, $0x8;
	s17 =	smov.u32 s31;
	_ =	strace $0x90000055  }
0x42: {  	s17 =	simm.s32 @p3 $0x0;
	s31 =	sld [smem:$0x7FD]  }
0x43: {  	p6 =	sne.s32 s12, $0x1;
	p0 =	sne.s32 s21, $0x8;
	p3 =	sne.s32 s11, s17  }
0x44: {  	p5 =	por !p6, !p3;
	p6 =	seq.s32 s21, $0x1;
	s21 =	simm.s32 $0x1  }
0x45: {  	s21 =	simm.s32 @!p0 $0x0;
	p0 =	seq.s32 s31, $0x1  }
.Ltmp0:
0x46: {  	s30 =	sld [smem:$0x7FC];
	(pc) =	sbr.rel @p0 .LBB2_2-.Ltmp0, $4  }
0x47: {  	_ = 	snop  }
0x48: {  	p4 =	seq.s32 s12, $0x8  }
0x49: {  	p1 =	por p2, p2;
	p2 =	por p4, p4;
	p4 =	seq.s32 s30, $0x1  }
0x4a: {  	p6 =	por p6, p4  }
0x4b: {  	_ =	strace @p6 $0x80000056;
	s23 =	sshll.u32 @p6 s23, $0xC  }
0x4c: {  	s18 =	rddreg [dreg:$0x4];
	s23 =	sand.u32 @p6 $0x1FFFF000, s23  }
0x4d: {  	s20 =	sadd.s32 @p6 $0x3, s20;
	s18 =	sadd.s32 @p6 s18, s23;
	s23 =	simm.s32 @p6 $0x0  }
0x4e: {  	[hbm4b:s18+s23] =	stream.linear.scatter @p6 [tilespmem:s22], [sflag:s20], $0x8000, $0x200038;
	[tilespmem:$0x10200] =	vst v63  }
0x4f: {  	p0 =	por !p5, !p5;
	_ =	strace @p6 $0x90000056  }
0x50: {  	s15 =	sadd.s32 @!p1 $0x3, s15;
	s17 =	sadd.s32 @p0 s4, s17;
	_ =	strace @!p1 $0x80000057  }
0x51: {  	s14 =	sand.u32 @p0 $0x1, s14;
	s17 =	sshll.u32 @p0 s17, $0x5;
	_ =	swait.ge @!p1 [sflag:s15], $0x8000  }
0x52: {  	s18 =	simm.s32 $0x1;
	s20 =	sshll.u32 @p0 s14, $0x8;
	[sflag:s15] =	ssyncset.done @!p1 $0x0  }
0x53: {  	s14 =	sadd.s32 @p0 $0x1, s14;
	s18 =	simm.s32 @!p6 $0x0;
	[sflag:s15] =	ssyncadd.s32 @!p1 $0xFFFF8000  }
0x54: {  	s19 =	sadd.s32 s18, s19;
	s15 =	sand.u32 @p0 $0x1FFFFFE0, s17;
	_ =	strace @!p1 $0x90000057  }
0x55: {  	s17 =	simm.s32 @p0 $0x0;
	s15 =	sadd.s32 @p0 s3, s15;
	_ =	strace @p0 $0x80000053  }
0x56: {  	[tilespmem:s20], [sflag:s14] =	stream.linear.gather @p0 [hbm4b:s15+s17], $0x100, $0x200038;
	[tilespmem:$0x10200] =	vst v63  }
0x57: {  	s25 =	sand.u32 $0x1, s19;
	_ =	strace @p0 $0x90000053  }
0x58: {  	s14 =	sadd.s32 $0x1, s25;
	_ =	strace $0x80000054  }
0x59: {  	_ =	swait.ge [sflag:s14], $0x100  }
0x5a: {  	[sflag:s14] =	ssyncset.done $0x0  }
0x5b: {  	[sflag:s14] =	ssyncadd.s32 $0xFFFFFF00  }
0x5c: {  	s26 =	sadd.s32 s18, s16;
	_ =	strace $0x90000054  }
0x5d: {  	s14 =	sand.u32 $0x1, s26;
	_ =	strace $0x80000055  }
0x5e: {  	s30 =	sshll.u32 s19, $0x8;
	s31 =	sshll.u32 s14, $0xF;
	s28 =	rddreg [dreg:$0x3]  }
0x5f: {  	s17 =	sand.u32 $0x100, s30;
	s18 =	sor.u32 $0x200, s31;
	s29 =	rddreg [dreg:$0x2]  }
0x60: {  	[tilespmem:s18], [sflag:$0x5] =	stream.indirect.gather [hbm4b:s29+s28], $0x80, s17, s28, $0x2000b8;
	[tilespmem:$0x10200] =	vst v63  }
0x61: {  	_ =	swait.ge [sflag:s8], $0x8000  }
0x62: {  	[sflag:s8] =	ssyncset.done $0x0  }
0x63: {  	p5 =	por p3, p3;
	p6 =	seq.s32 s12, $0x1;
	[sflag:s8] =	ssyncadd.s32 $0xFFFF8000  }
0x64: {  	s11 =	sadd.s32 s4, s11;
	p0 =	por p6, p5;
	_ =	strace $0x90000055  }
0x65: {  	s11 =	sshll.u32 @p0 s11, $0xC;
	_ =	strace @p0 $0x80000056  }
0x66: {  	s13 =	sadd.s32 s21, s13;
	s11 =	sand.u32 @p0 $0x1FFFF000, s11;
	s12 =	rddreg [dreg:$0x4]  }
0x67: {  	s14 =	sadd.s32 @p0 $0x3, s14;
	s11 =	sadd.s32 @p0 s12, s11;
	s12 =	simm.s32 @p0 $0x0  }
0x68: {  	[hbm4b:s11+s12] =	stream.linear.scatter @p0 [tilespmem:s18], [sflag:s14], $0x8000, $0x200038;
	[tilespmem:$0x10200] =	vst v63  }
0x69: {  	p1 =	por p2, p2;
	s11 =	sand.u32 @!p2 $0x1, s13;
	_ =	strace @p0 $0x90000056  }
0x6a: {  	s11 =	sadd.s32 @!p1 $0x3, s11;
	_ =	strace @!p1 $0x80000057  }
0x6b: {  	_ =	swait.ge @!p1 [sflag:s11], $0x8000  }
0x6c: {  	[sflag:s11] =	ssyncset.done @!p1 $0x0  }
0x6d: {  	s10 =	sadd.s32 $0x1, s10;
	[sflag:s11] =	ssyncadd.s32 @!p1 $0xFFFF8000  }
0x6e: {  	p0 =	sne.s32 s10, s6;
	_ =	strace @!p1 $0x90000057  }
.Ltmp1:
0x6f: {  	_ =	strace $0x80000058;
	(pc) =	sbr.rel @p0 .LBB2_1-.Ltmp1, $4  }
0x70: {  	_ =	swait.ge [sflag:s9], $0x8000  }
0x71: {  	[sflag:s9] =	ssyncset.done $0x0  }
0x72: {  	[sflag:s9] =	ssyncadd.s32 $0xFFFF8000  }
0x73: {  	_ =	strace $0x90000058  }
0x74: {  	_ =	sfence.sel $0x180000  }
0x75: {  	[bflag:$0x0] =	sbarrier.arrive $0xFFFF  }
0x76: {  	p0 =	sne.s32 s2, $0x0;
	_ =	strace $0x90000051  }
0x77: {  	s0 =	sadd.s32 @!p0 $0x100000, s0;
	[bflag:$0x2] =	sbarrier.arrive $0xFFFF  }
0x78: {  	[sflag:s0] =	ssyncadd.tile.s32 @!p0 $0x1;
	_ =	shalt  }
.Lfunc_end2:
_tile_overlayer_lowered:
.L_overlay_start_2:
0x79: {  	(tag) =	ssettag $0x2  }
0x7a: {  	s0 =	rddreg [dreg:$0x0];
	s2 =	stileid.u32  }
0x7b: {  	s1 =	rddreg [dreg:$0x1];
	p0 =	sne.s32 s2, $0x0  }
0x7c: {  	s3 =	rddreg [dreg:$0x2];
	[bflag:$0x3] =	sbarrier.arrive $0xFFFF;
	s2 =	simm.s32 @!p0 $0x1C01  }
0x7d: {  	[timem:s3], [sflag:s2] =	dma.local @!p0 [hbm:s0], s1  }
0x7e: {  	s0 =	simm.s32 @!p0 $0x1  }
0x7f: {  	_ =	swait.ge @!p0 [sflag:s0], s1  }
0x80: {  	s1 =	ssub.s32 @!p0 $0x0, s1;
	[sflag:s0] =	ssyncset.done @!p0 $0x0  }
0x81: {  	[sflag:s0] =	ssyncadd.s32 @!p0 s1  }
0x82: {  	[bflag:$0x3] =	sbarrier.arrive $0xFFFF  }
0x83: {  	_ =	shalt  }

</sc_bundles>
